<compile_context>
chip_gen: v7x
topology: tpu7x:2x2x1
jax: 0.10.2.dev20260603
libtpu: 0.0.44.dev20260713+nightly
codegen_flags: <defaults>
</compile_context>

<pallas_src>
import functools

import jax
import jax.numpy as jnp
from jax import lax
from jax.experimental import pallas as pl
from jax.experimental.pallas import tpu as pltpu
from jax.experimental.pallas import tpu_sc as plsc

_N = 10000
_E = 320000
_F = 128
_NG = 64
_NCLS = 10
_EPS = 1e-5

_NC = 2
_NS = 16
_NW = _NC * _NS
_CHUNK = 128
_EPW = 10240
_NCH = _EPW // _CHUNK
_EPAD = _NW * _EPW
_NPAD = 10112
_RPT = _NPAD // _NS



def _sc_mesh():
    return plsc.VectorSubcoreMesh(core_axis_name="c", subcore_axis_name="s")


def _deg_body(rdeg_hbm, ones_hbm, zero16_hbm, out_hbm, idx_v, ones_v, cnt_sh):
    cc = lax.axis_index("c")
    ss = lax.axis_index("s")
    wid = ss * _NC + cc
    pltpu.sync_copy(rdeg_hbm.at[wid], idx_v)
    pltpu.sync_copy(ones_hbm, ones_v)
    pltpu.sync_copy(zero16_hbm.at[pl.ds(ss * _RPT, _RPT)],
                    cnt_sh.at[pl.ds(ss * _RPT, _RPT)])
    plsc.subcore_barrier()

    def body(i, _):
        pltpu.sync_copy(ones_v, cnt_sh.at[idx_v.at[i]], add=True)
        return 0

    lax.fori_loop(0, _NCH, body, 0)
    plsc.subcore_barrier()
    pltpu.sync_copy(cnt_sh.at[pl.ds(ss * _RPT, _RPT)],
                    out_hbm.at[cc, pl.ds(ss * _RPT, _RPT)])


def _sc_degree(rdeg3, ones16, zeros16):
    k = pl.kernel(
        _deg_body,
        out_type=jax.ShapeDtypeStruct((_NC, _NPAD, 16), jnp.float32),
        mesh=_sc_mesh(),
        scratch_types=[
            pltpu.VMEM((_NCH, _CHUNK), jnp.int32),
            pltpu.VMEM((_CHUNK, 16), jnp.float32),
            pltpu.VMEM_SHARED((_NPAD, 16), jnp.float32),
        ],
    )
    return k(rdeg3, ones16, zeros16)


def _edge_body(h3_hbm, r_hbm, c_hbm, zeros_hbm, out_hbm,
               ridx_v, cidx_v, rows_v, agg_sh):
    cc = lax.axis_index("c")
    ss = lax.axis_index("s")
    wid = ss * _NC + cc
    pltpu.sync_copy(r_hbm.at[wid], ridx_v)
    pltpu.sync_copy(c_hbm.at[wid], cidx_v)
    pltpu.sync_copy(zeros_hbm.at[pl.ds(ss * _RPT, _RPT)],
                    agg_sh.at[pl.ds(ss * _RPT, _RPT)])
    plsc.subcore_barrier()

    def body(i, _):
        pltpu.sync_copy(h3_hbm.at[ridx_v.at[i]], rows_v)
        pltpu.sync_copy(rows_v, agg_sh.at[cidx_v.at[i]], add=True)
        return 0

    lax.fori_loop(0, _NCH, body, 0)
    plsc.subcore_barrier()
    pltpu.sync_copy(agg_sh.at[pl.ds(ss * _RPT, _RPT)],
                    out_hbm.at[cc, pl.ds(ss * _RPT, _RPT)])


def _sc_edge_pass(h3, r3, c3, zeros):
    k = pl.kernel(
        _edge_body,
        out_type=jax.ShapeDtypeStruct((_NC, _NPAD, _F), jnp.float32),
        mesh=_sc_mesh(),
        scratch_types=[
            pltpu.VMEM((_NCH, _CHUNK), jnp.int32),
            pltpu.VMEM((_NCH, _CHUNK), jnp.int32),
            pltpu.VMEM((_CHUNK, _F), jnp.float32),
            pltpu.VMEM_SHARED((_NPAD, _F), jnp.float32),
        ],
    )
    return k(h3, r3, c3, zeros)



def _bn(x, g, b):
    n = x.shape[0]
    m = jnp.sum(x, axis=0, keepdims=True) * (1.0 / n)
    d = x - m
    v = jnp.sum(d * d, axis=0, keepdims=True) * (1.0 / n)
    return g * d * lax.rsqrt(v + _EPS) + b


def _dis_col(cnt_ref):
    deg = cnt_ref[0, : _N, 0:1] + cnt_ref[1, : _N, 0:1] + 1.0
    return lax.rsqrt(deg)


def _pre_body(x_ref, cnt_ref, bfg_ref, bfb_ref, wf_ref, g0_ref, b0_ref,
              w0_ref, h3_ref):
    x = x_ref[...]
    h = _bn(x, bfg_ref[...], bfb_ref[...])
    h = jnp.maximum(jnp.dot(h, wf_ref[...],
                            preferred_element_type=jnp.float32), 0.0)
    t = _bn(h, g0_ref[...], b0_ref[...])
    h2 = jnp.dot(t, w0_ref[...], preferred_element_type=jnp.float32)
    h3_ref[...] = _dis_col(cnt_ref) * h2


def _tc_pre(x, cnt, bn_feat_g, bn_feat_b, W_feat, g0, b0, W0):
    return pl.pallas_call(
        _pre_body,
        out_shape=jax.ShapeDtypeStruct((_N, _F), jnp.float32),
    )(x, cnt, bn_feat_g, bn_feat_b, W_feat, g0, b0, W0)


def _mid_body(agg_ref, h3_ref, cnt_ref, bc_ref, g_ref, b_ref, w_ref, out_ref):
    dis = _dis_col(cnt_ref)
    agg = agg_ref[0, : _N, :] + agg_ref[1, : _N, :] + h3_ref[...]
    h = jnp.maximum(dis * agg + bc_ref[...], 0.0)
    t = _bn(h, g_ref[...], b_ref[...])
    h2 = jnp.dot(t, w_ref[...], preferred_element_type=jnp.float32)
    out_ref[...] = dis * h2


def _tc_mid(agg, h3, cnt, bc, g, b, W):
    return pl.pallas_call(
        _mid_body,
        out_shape=jax.ShapeDtypeStruct((_N, _F), jnp.float32),
    )(agg, h3, cnt, bc, g, b, W)


def _final_body(agg_ref, h3_ref, cnt_ref, bc_ref, oh_ref,
                gfc_ref, bfc_ref, wfc_ref, bfcb_ref,
                gh_ref, bh_ref, wcls_ref, bcls_ref, out_ref):
    dis = _dis_col(cnt_ref)
    agg = agg_ref[0, : _N, :] + agg_ref[1, : _N, :] + h3_ref[...]
    h = jnp.maximum(dis * agg + bc_ref[...], 0.0)
    pooled = jnp.dot(oh_ref[...], h, preferred_element_type=jnp.float32)
    t = _bn(pooled, gfc_ref[...], bfc_ref[...])
    t = jnp.maximum(jnp.dot(t, wfc_ref[...],
                            preferred_element_type=jnp.float32)
                    + bfcb_ref[...], 0.0)
    t = _bn(t, gh_ref[...], bh_ref[...])
    logits = jnp.dot(t, wcls_ref[...],
                     preferred_element_type=jnp.float32) + bcls_ref[...]
    mx = jnp.max(logits, axis=-1, keepdims=True)
    ex = jnp.exp(logits - mx)
    lse = mx + jnp.log(jnp.sum(ex, axis=-1, keepdims=True))
    out_ref[...] = logits - lse


def _tc_final(agg, h3, cnt, bc, oh, gfc, bfc, wfc, bfcb, gh, bh, wcls, bcls):
    return pl.pallas_call(
        _final_body,
        out_shape=jax.ShapeDtypeStruct((_NG, _NCLS), jnp.float32),
    )(agg, h3, cnt, bc, oh, gfc, bfc, wfc, bfcb, gh, bh, wcls, bcls)



def kernel(x, edge_index, batch, bn_feat_g, bn_feat_b, W_feat,
           bnc_g0, bnc_b0, Wc0, bc0, bnc_g1, bnc_b1, Wc1, bc1,
           bnc_g2, bnc_b2, Wc2, bc2, bn_fc_g, bn_fc_b, W_fc, b_fc,
           bn_hid_g, bn_hid_b, W_cls, b_cls):
    npad = _EPAD - _E
    r = edge_index[0]
    c = edge_index[1]
    r3 = jnp.concatenate([r, jnp.zeros((npad,), jnp.int32)]
                         ).reshape(_NW, _NCH, _CHUNK)
    c3 = jnp.concatenate([c, jnp.full((npad,), _N, jnp.int32)]
                         ).reshape(_NW, _NCH, _CHUNK)
    rdeg3 = jnp.concatenate([r, jnp.full((npad,), _N, jnp.int32)]
                            ).reshape(_NW, _NCH, _CHUNK)
    ones16 = jnp.ones((_CHUNK, 16), jnp.float32)
    zeros16 = jnp.zeros((_NPAD, 16), jnp.float32)
    zeros = jnp.zeros((_NPAD, _F), jnp.float32)
    oh = (jnp.arange(_NG, dtype=jnp.int32)[:, None] == batch[None, :]
          ).astype(jnp.float32)

    cnt = _sc_degree(rdeg3, ones16, zeros16)

    h3 = _tc_pre(x, cnt, bn_feat_g, bn_feat_b, W_feat, bnc_g0, bnc_b0, Wc0)
    agg = _sc_edge_pass(h3, r3, c3, zeros)
    h3 = _tc_mid(agg, h3, cnt, bc0, bnc_g1, bnc_b1, Wc1)
    agg = _sc_edge_pass(h3, r3, c3, zeros)
    h3 = _tc_mid(agg, h3, cnt, bc1, bnc_g2, bnc_b2, Wc2)
    agg = _sc_edge_pass(h3, r3, c3, zeros)
    return _tc_final(agg, h3, cnt, bc2, oh, bn_fc_g, bn_fc_b, W_fc, b_fc,
                     bn_hid_g, bn_hid_b, W_cls, b_cls)

# --- scband reference (transcript-rebuilt; emitter-appended) ---
"""Pipeline reference for scband-gcnnet-8340826488980 (READ-ONLY COPY).

The authoritative reference and input builder live on the scoring server;
editing this copy changes nothing except your own understanding.
"""

import jax, jax.numpy as jnp
import numpy as np

N = 10000
E = 320000
F_IN = 128
HID = 128
NCLS = 10
NG = 64
EPS = 1e-5


def _bn(x, g, b):
    m = jnp.mean(x, axis=0, keepdims=True)
    v = jnp.var(x, axis=0, keepdims=True)
    return g * (x - m) / jnp.sqrt(v + EPS) + b


def _gcn(x, edge_index, W, b):
    n = x.shape[0]
    h = x @ W
    loop = jnp.arange(n, dtype=edge_index.dtype)
    r = jnp.concatenate([edge_index[0], loop])
    c = jnp.concatenate([edge_index[1], loop])
    ew = jnp.ones(r.shape[0], dtype=h.dtype)
    deg = jnp.zeros((n,), h.dtype).at[r].add(ew)
    dis = jnp.where(deg > 0, 1.0 / jnp.sqrt(jnp.maximum(deg, 1e-12)), 0.0)
    norm = dis[r] * ew * dis[c]
    msg = norm[:, None] * h[r]
    agg = jnp.zeros_like(h).at[c].add(msg)
    return agg + b


def setup_inputs(seed: int = 0):
    key = jax.random.key(seed)
    ks = jax.random.split(key, 10)
    inp = {}
    inp["x"] = jax.random.normal(ks[0], (N, F_IN), dtype=jnp.float32)
    inp["edge_index"] = jax.random.randint(ks[1], (2, E), 0, N, dtype=jnp.int32)
    inp["batch"] = jnp.sort(jax.random.randint(ks[2], (N,), 0, NG, dtype=jnp.int32))
    inp["bn_feat_g"] = jnp.ones((F_IN,), jnp.float32)
    inp["bn_feat_b"] = jnp.full((F_IN,), 1e-4, jnp.float32)
    inp["W_feat"] = jax.random.normal(ks[3], (F_IN, HID), jnp.float32) * 0.05
    for i in range(3):
        inp["bnc_g%d" % i] = jnp.ones((HID,), jnp.float32)
        inp["bnc_b%d" % i] = jnp.full((HID,), 1e-4, jnp.float32)
        inp["Wc%d" % i] = jax.random.normal(ks[4 + i], (HID, HID), jnp.float32) * 0.05
        inp["bc%d" % i] = jnp.zeros((HID,), jnp.float32)
    inp["bn_fc_g"] = jnp.ones((HID,), jnp.float32)
    inp["bn_fc_b"] = jnp.full((HID,), 1e-4, jnp.float32)
    inp["W_fc"] = jax.random.normal(ks[7], (HID, HID), jnp.float32) * 0.05
    inp["b_fc"] = jnp.zeros((HID,), jnp.float32)
    inp["bn_hid_g"] = jnp.ones((HID,), jnp.float32)
    inp["bn_hid_b"] = jnp.full((HID,), 1e-4, jnp.float32)
    inp["W_cls"] = jax.random.normal(ks[8], (HID, NCLS), jnp.float32) * 0.05
    inp["b_cls"] = jnp.zeros((NCLS,), jnp.float32)
    return inp


def reference(x, edge_index, batch, bn_feat_g, bn_feat_b, W_feat, bnc_g0, bnc_b0, Wc0, bc0, bnc_g1, bnc_b1, Wc1, bc1, bnc_g2, bnc_b2, Wc2, bc2, bn_fc_g, bn_fc_b, W_fc, b_fc, bn_hid_g, bn_hid_b, W_cls, b_cls):
    h = _bn(x, bn_feat_g, bn_feat_b)
    h = jax.nn.relu(h @ W_feat)  # conv_feat has gfn=True: linear only, no propagation, no bias
    for g, bt, W, bb in ((bnc_g0, bnc_b0, Wc0, bc0), (bnc_g1, bnc_b1, Wc1, bc1), (bnc_g2, bnc_b2, Wc2, bc2)):
        h = _bn(h, g, bt)
        h = jax.nn.relu(_gcn(h, edge_index, W, bb))
    pooled = jnp.zeros((NG, h.shape[1]), h.dtype).at[batch].add(h)  # global_add_pool
    h = _bn(pooled, bn_fc_g, bn_fc_b)
    h = jax.nn.relu(h @ W_fc + b_fc)
    h = _bn(h, bn_hid_g, bn_hid_b)
    logits = h @ W_cls + b_cls
    return jax.nn.log_softmax(logits, axis=-1)

if __name__ == "__main__":
    import jax
    _d = setup_inputs()
    print(jax.jit(kernel)(*tuple(_d.values())))

</pallas_src>

<mosaic_0001>
#map = affine_map<(d0, d1) -> (0, 0)>
#map1 = affine_map<(d0, d1) -> (0, 0, 0)>
module attributes {stable_mosaic.version = 14 : i64} {
  func.func @_edge_body(%arg0: i32, %arg1: i32, %arg2: memref<10000x128xf32, #tpu.memory_space<hbm>>, %arg3: memref<32x80x128xi32, #tpu.memory_space<hbm>>, %arg4: memref<32x80x128xi32, #tpu.memory_space<hbm>>, %arg5: memref<10112x128xf32, #tpu.memory_space<hbm>>, %arg6: memref<2x10112x128xf32, #tpu.memory_space<hbm>>, %arg7: memref<80x128xi32, #tpu.memory_space<vmem>>, %arg8: memref<80x128xi32, #tpu.memory_space<vmem>>, %arg9: memref<128x128xf32, #tpu.memory_space<vmem>>, %arg10: memref<10112x128xf32, #tpu.memory_space<vmem_shared>>) attributes {dimension_semantics = [#tpu.dimension_semantics<core_parallel>, #tpu.dimension_semantics<subcore_parallel>], iteration_bounds = array<i64: 2, 16>, scalar_prefetch = 0 : i64, scratch_operands = 4 : i64, tpu.core_type = #tpu.core_type<sc_vector_subcore>, window_params = [{transform_indices = #map}, {transform_indices = #map1}, {transform_indices = #map1}, {transform_indices = #map}, {transform_indices = #map1}]} {
    %mul3A = arith.constant 2 : i32
    %mul3A_0 = arith.muli %arg1, %mul3A : i32
    %add3A = arith.addi %mul3A_0, %arg0 : i32
    "tpu.region"() ({
      %run_scoped3A = tpu.sem_alloc : memref<!tpu.dma_semaphore, #tpu.memory_space<semaphore_mem>>
      %dma_start3A = arith.constant 0 : i32
      %dma_start3A_16 = arith.constant 0 : i32
      %dma_start3A_17 = tpu.memref_slice %arg3[%add3A, %dma_start3A, %dma_start3A_16] : memref<32x80x128xi32, #tpu.memory_space<hbm>> -> memref<1x80x128xi32, #tpu.memory_space<hbm>>
      %dma_start3A_18 = tpu.memref_squeeze %dma_start3A_17 : memref<1x80x128xi32, #tpu.memory_space<hbm>> -> memref<80x128xi32, #tpu.memory_space<hbm>>
      %dma_start3A_19 = arith.constant 0 : i32
      %dma_start3A_20 = arith.constant 0 : i32
      %dma_start3A_21 = tpu.memref_slice %arg3[%add3A, %dma_start3A_19, %dma_start3A_20] : memref<32x80x128xi32, #tpu.memory_space<hbm>> -> memref<1x80x128xi32, #tpu.memory_space<hbm>>
      %dma_start3A_22 = tpu.memref_squeeze %dma_start3A_21 : memref<1x80x128xi32, #tpu.memory_space<hbm>> -> memref<80x128xi32, #tpu.memory_space<hbm>>
      tpu.enqueue_dma source(%dma_start3A_22 : memref<80x128xi32, #tpu.memory_space<hbm>>) target(%arg7 : memref<80x128xi32, #tpu.memory_space<vmem>>) target_semaphore(%run_scoped3A : memref<!tpu.dma_semaphore, #tpu.memory_space<semaphore_mem>>)
      %dma_wait3A = arith.constant 0 : i32
      %dma_wait3A_23 = arith.constant 0 : i32
      %dma_wait3A_24 = tpu.memref_slice %arg3[%add3A, %dma_wait3A, %dma_wait3A_23] : memref<32x80x128xi32, #tpu.memory_space<hbm>> -> memref<1x80x128xi32, #tpu.memory_space<hbm>>
      %dma_wait3A_25 = tpu.memref_squeeze %dma_wait3A_24 : memref<1x80x128xi32, #tpu.memory_space<hbm>> -> memref<80x128xi32, #tpu.memory_space<hbm>>
      %dma_wait3A_26 = arith.constant 0 : i32
      %dma_wait3A_27 = arith.constant 0 : i32
      %dma_wait3A_28 = tpu.memref_slice %arg3[%add3A, %dma_wait3A_26, %dma_wait3A_27] : memref<32x80x128xi32, #tpu.memory_space<hbm>> -> memref<1x80x128xi32, #tpu.memory_space<hbm>>
      %dma_wait3A_29 = tpu.memref_squeeze %dma_wait3A_28 : memref<1x80x128xi32, #tpu.memory_space<hbm>> -> memref<80x128xi32, #tpu.memory_space<hbm>>
      tpu.wait_dma2 semaphore(%run_scoped3A : memref<!tpu.dma_semaphore, #tpu.memory_space<semaphore_mem>>) src(%dma_wait3A_29 : memref<80x128xi32, #tpu.memory_space<hbm>>) dst(%arg7 : memref<80x128xi32, #tpu.memory_space<vmem>>)
      tpu.yield
    }) : () -> ()
    "tpu.region"() ({
      %run_scoped3A = tpu.sem_alloc : memref<!tpu.dma_semaphore, #tpu.memory_space<semaphore_mem>>
      %dma_start3A = arith.constant 0 : i32
      %dma_start3A_16 = arith.constant 0 : i32
      %dma_start3A_17 = tpu.memref_slice %arg4[%add3A, %dma_start3A, %dma_start3A_16] : memref<32x80x128xi32, #tpu.memory_space<hbm>> -> memref<1x80x128xi32, #tpu.memory_space<hbm>>
      %dma_start3A_18 = tpu.memref_squeeze %dma_start3A_17 : memref<1x80x128xi32, #tpu.memory_space<hbm>> -> memref<80x128xi32, #tpu.memory_space<hbm>>
      %dma_start3A_19 = arith.constant 0 : i32
      %dma_start3A_20 = arith.constant 0 : i32
      %dma_start3A_21 = tpu.memref_slice %arg4[%add3A, %dma_start3A_19, %dma_start3A_20] : memref<32x80x128xi32, #tpu.memory_space<hbm>> -> memref<1x80x128xi32, #tpu.memory_space<hbm>>
      %dma_start3A_22 = tpu.memref_squeeze %dma_start3A_21 : memref<1x80x128xi32, #tpu.memory_space<hbm>> -> memref<80x128xi32, #tpu.memory_space<hbm>>
      tpu.enqueue_dma source(%dma_start3A_22 : memref<80x128xi32, #tpu.memory_space<hbm>>) target(%arg8 : memref<80x128xi32, #tpu.memory_space<vmem>>) target_semaphore(%run_scoped3A : memref<!tpu.dma_semaphore, #tpu.memory_space<semaphore_mem>>)
      %dma_wait3A = arith.constant 0 : i32
      %dma_wait3A_23 = arith.constant 0 : i32
      %dma_wait3A_24 = tpu.memref_slice %arg4[%add3A, %dma_wait3A, %dma_wait3A_23] : memref<32x80x128xi32, #tpu.memory_space<hbm>> -> memref<1x80x128xi32, #tpu.memory_space<hbm>>
      %dma_wait3A_25 = tpu.memref_squeeze %dma_wait3A_24 : memref<1x80x128xi32, #tpu.memory_space<hbm>> -> memref<80x128xi32, #tpu.memory_space<hbm>>
      %dma_wait3A_26 = arith.constant 0 : i32
      %dma_wait3A_27 = arith.constant 0 : i32
      %dma_wait3A_28 = tpu.memref_slice %arg4[%add3A, %dma_wait3A_26, %dma_wait3A_27] : memref<32x80x128xi32, #tpu.memory_space<hbm>> -> memref<1x80x128xi32, #tpu.memory_space<hbm>>
      %dma_wait3A_29 = tpu.memref_squeeze %dma_wait3A_28 : memref<1x80x128xi32, #tpu.memory_space<hbm>> -> memref<80x128xi32, #tpu.memory_space<hbm>>
      tpu.wait_dma2 semaphore(%run_scoped3A : memref<!tpu.dma_semaphore, #tpu.memory_space<semaphore_mem>>) src(%dma_wait3A_29 : memref<80x128xi32, #tpu.memory_space<hbm>>) dst(%arg8 : memref<80x128xi32, #tpu.memory_space<vmem>>)
      tpu.yield
    }) : () -> ()
    %mul3A_1 = arith.constant 632 : i32
    %mul3A_2 = arith.muli %arg1, %mul3A_1 : i32
    %mul3A_3 = arith.constant 632 : i32
    %mul3A_4 = arith.muli %arg1, %mul3A_3 : i32
    "tpu.region"() ({
      %run_scoped3A = tpu.sem_alloc : memref<!tpu.dma_semaphore, #tpu.memory_space<semaphore_mem>>
      %dma_start3A = arith.constant 0 : i32
      %dma_start3A_16 = tpu.memref_slice %arg10[%mul3A_4, %dma_start3A] : memref<10112x128xf32, #tpu.memory_space<vmem_shared>> -> memref<632x128xf32, #tpu.memory_space<vmem_shared>>
      %dma_start3A_17 = arith.constant 0 : i32
      %dma_start3A_18 = tpu.memref_slice %arg5[%mul3A_2, %dma_start3A_17] : memref<10112x128xf32, #tpu.memory_space<hbm>> -> memref<632x128xf32, #tpu.memory_space<hbm>>
      tpu.enqueue_dma source(%dma_start3A_18 : memref<632x128xf32, #tpu.memory_space<hbm>>) target(%dma_start3A_16 : memref<632x128xf32, #tpu.memory_space<vmem_shared>>) target_semaphore(%run_scoped3A : memref<!tpu.dma_semaphore, #tpu.memory_space<semaphore_mem>>)
      %dma_wait3A = arith.constant 0 : i32
      %dma_wait3A_19 = tpu.memref_slice %arg10[%mul3A_4, %dma_wait3A] : memref<10112x128xf32, #tpu.memory_space<vmem_shared>> -> memref<632x128xf32, #tpu.memory_space<vmem_shared>>
      %dma_wait3A_20 = arith.constant 0 : i32
      %dma_wait3A_21 = tpu.memref_slice %arg5[%mul3A_2, %dma_wait3A_20] : memref<10112x128xf32, #tpu.memory_space<hbm>> -> memref<632x128xf32, #tpu.memory_space<hbm>>
      tpu.wait_dma2 semaphore(%run_scoped3A : memref<!tpu.dma_semaphore, #tpu.memory_space<semaphore_mem>>) src(%dma_wait3A_21 : memref<632x128xf32, #tpu.memory_space<hbm>>) dst(%dma_wait3A_19 : memref<632x128xf32, #tpu.memory_space<vmem_shared>>)
      tpu.yield
    }) : () -> ()
    %barrier3A = arith.constant 0 : index
    tpu.barrier barrier_id(%barrier3A)
    %scan3A = arith.constant 0 : i32
    %scan3A_5 = arith.constant 0 : i32
    %scan3A_6 = arith.constant 80 : i32
    %scan3A_7 = arith.addi %scan3A_5, %scan3A_6 : i32
    %scan3A_8 = arith.constant 1 : i32
    %scan3A_9 = scf.for %scan3A_16 = %scan3A_5 to %scan3A_7 step %scan3A_8 iter_args(%scan3A_17 = %scan3A) -> (i32)  : i32 {
      "tpu.region"() ({
        %run_scoped3A = tpu.sem_alloc : memref<!tpu.dma_semaphore, #tpu.memory_space<semaphore_mem>>
        %dma_start3A = arith.constant 0 : i32
        %dma_start3A_19 = tpu.memref_slice %arg7[%scan3A_16, %dma_start3A] : memref<80x128xi32, #tpu.memory_space<vmem>> -> memref<1x128xi32, #tpu.memory_space<vmem>>
        %dma_start3A_20 = tpu.memref_squeeze %dma_start3A_19 : memref<1x128xi32, #tpu.memory_space<vmem>> -> memref<128xi32, #tpu.memory_space<vmem>>
        %dma_start3A_21 = arith.constant 0 : i32
        %dma_start3A_22 = arith.constant 0 : i32
        %dma_start3A_23 = tpu.memref_slice %arg2[%dma_start3A_21, %dma_start3A_22] : memref<10000x128xf32, #tpu.memory_space<hbm>> -> memref<10000x128xf32, #tpu.memory_space<hbm>>
        tpu.enqueue_indirect_dma source(%dma_start3A_23 : memref<10000x128xf32, #tpu.memory_space<hbm>>) target(%arg9 : memref<128x128xf32, #tpu.memory_space<vmem>>) offsets(%dma_start3A_20 : memref<128xi32, #tpu.memory_space<vmem>>) semaphore(%run_scoped3A : memref<!tpu.dma_semaphore, #tpu.memory_space<semaphore_mem>>)
        %dma_wait3A = arith.constant 0 : i32
        %dma_wait3A_24 = tpu.memref_slice %arg7[%scan3A_16, %dma_wait3A] : memref<80x128xi32, #tpu.memory_space<vmem>> -> memref<1x128xi32, #tpu.memory_space<vmem>>
        %dma_wait3A_25 = tpu.memref_squeeze %dma_wait3A_24 : memref<1x128xi32, #tpu.memory_space<vmem>> -> memref<128xi32, #tpu.memory_space<vmem>>
        %dma_wait3A_26 = arith.constant 0 : i32
        %dma_wait3A_27 = arith.constant 0 : i32
        %dma_wait3A_28 = tpu.memref_slice %arg2[%dma_wait3A_26, %dma_wait3A_27] : memref<10000x128xf32, #tpu.memory_space<hbm>> -> memref<10000x128xf32, #tpu.memory_space<hbm>>
        tpu.wait_indirect_dma semaphore(%run_scoped3A : memref<!tpu.dma_semaphore, #tpu.memory_space<semaphore_mem>>) src(%dma_wait3A_28 : memref<10000x128xf32, #tpu.memory_space<hbm>>) dst(%arg9 : memref<128x128xf32, #tpu.memory_space<vmem>>)
        tpu.yield
      }) : () -> ()
      "tpu.region"() ({
        %run_scoped3A = tpu.sem_alloc : memref<!tpu.dma_semaphore, #tpu.memory_space<semaphore_mem>>
        %dma_start3A = arith.constant 0 : i32
        %dma_start3A_19 = tpu.memref_slice %arg8[%scan3A_16, %dma_start3A] : memref<80x128xi32, #tpu.memory_space<vmem>> -> memref<1x128xi32, #tpu.memory_space<vmem>>
        %dma_start3A_20 = tpu.memref_squeeze %dma_start3A_19 : memref<1x128xi32, #tpu.memory_space<vmem>> -> memref<128xi32, #tpu.memory_space<vmem>>
        %dma_start3A_21 = arith.constant 0 : i32
        %dma_start3A_22 = arith.constant 0 : i32
        %dma_start3A_23 = tpu.memref_slice %arg10[%dma_start3A_21, %dma_start3A_22] : memref<10112x128xf32, #tpu.memory_space<vmem_shared>> -> memref<10112x128xf32, #tpu.memory_space<vmem_shared>>
        tpu.enqueue_indirect_dma source(%arg9 : memref<128x128xf32, #tpu.memory_space<vmem>>) target(%dma_start3A_23 : memref<10112x128xf32, #tpu.memory_space<vmem_shared>>) offsets(%dma_start3A_20 : memref<128xi32, #tpu.memory_space<vmem>>) semaphore(%run_scoped3A : memref<!tpu.dma_semaphore, #tpu.memory_space<semaphore_mem>>) {add = true}
        %dma_wait3A = arith.constant 0 : i32
        %dma_wait3A_24 = tpu.memref_slice %arg8[%scan3A_16, %dma_wait3A] : memref<80x128xi32, #tpu.memory_space<vmem>> -> memref<1x128xi32, #tpu.memory_space<vmem>>
        %dma_wait3A_25 = tpu.memref_squeeze %dma_wait3A_24 : memref<1x128xi32, #tpu.memory_space<vmem>> -> memref<128xi32, #tpu.memory_space<vmem>>
        %dma_wait3A_26 = arith.constant 0 : i32
        %dma_wait3A_27 = arith.constant 0 : i32
        %dma_wait3A_28 = tpu.memref_slice %arg10[%dma_wait3A_26, %dma_wait3A_27] : memref<10112x128xf32, #tpu.memory_space<vmem_shared>> -> memref<10112x128xf32, #tpu.memory_space<vmem_shared>>
        tpu.wait_indirect_dma semaphore(%run_scoped3A : memref<!tpu.dma_semaphore, #tpu.memory_space<semaphore_mem>>) src(%arg9 : memref<128x128xf32, #tpu.memory_space<vmem>>) dst(%dma_wait3A_28 : memref<10112x128xf32, #tpu.memory_space<vmem_shared>>)
        tpu.yield
      }) : () -> ()
      %scan3A_18 = arith.constant 0 : i32
      scf.yield %scan3A_18 : i32
    }
    %scan3A_10 = arith.constant 80 : i32
    %barrier3A_11 = arith.constant 0 : index
    tpu.barrier barrier_id(%barrier3A_11)
    %mul3A_12 = arith.constant 632 : i32
    %mul3A_13 = arith.muli %arg1, %mul3A_12 : i32
    %mul3A_14 = arith.constant 632 : i32
    %mul3A_15 = arith.muli %arg1, %mul3A_14 : i32
    "tpu.region"() ({
      %run_scoped3A = tpu.sem_alloc : memref<!tpu.dma_semaphore, #tpu.memory_space<semaphore_mem>>
      %dma_start3A = arith.constant 0 : i32
      %dma_start3A_16 = tpu.memref_slice %arg6[%arg0, %mul3A_15, %dma_start3A] : memref<2x10112x128xf32, #tpu.memory_space<hbm>> -> memref<1x632x128xf32, #tpu.memory_space<hbm>>
      %dma_start3A_17 = tpu.memref_squeeze %dma_start3A_16 : memref<1x632x128xf32, #tpu.memory_space<hbm>> -> memref<632x128xf32, #tpu.memory_space<hbm>>
      %dma_start3A_18 = arith.constant 0 : i32
      %dma_start3A_19 = tpu.memref_slice %arg10[%mul3A_13, %dma_start3A_18] : memref<10112x128xf32, #tpu.memory_space<vmem_shared>> -> memref<632x128xf32, #tpu.memory_space<vmem_shared>>
      tpu.enqueue_dma source(%dma_start3A_19 : memref<632x128xf32, #tpu.memory_space<vmem_shared>>) target(%dma_start3A_17 : memref<632x128xf32, #tpu.memory_space<hbm>>) target_semaphore(%run_scoped3A : memref<!tpu.dma_semaphore, #tpu.memory_space<semaphore_mem>>)
      %dma_wait3A = arith.constant 0 : i32
      %dma_wait3A_20 = tpu.memref_slice %arg6[%arg0, %mul3A_15, %dma_wait3A] : memref<2x10112x128xf32, #tpu.memory_space<hbm>> -> memref<1x632x128xf32, #tpu.memory_space<hbm>>
      %dma_wait3A_21 = tpu.memref_squeeze %dma_wait3A_20 : memref<1x632x128xf32, #tpu.memory_space<hbm>> -> memref<632x128xf32, #tpu.memory_space<hbm>>
      %dma_wait3A_22 = arith.constant 0 : i32
      %dma_wait3A_23 = tpu.memref_slice %arg10[%mul3A_13, %dma_wait3A_22] : memref<10112x128xf32, #tpu.memory_space<vmem_shared>> -> memref<632x128xf32, #tpu.memory_space<vmem_shared>>
      tpu.wait_dma2 semaphore(%run_scoped3A : memref<!tpu.dma_semaphore, #tpu.memory_space<semaphore_mem>>) src(%dma_wait3A_23 : memref<632x128xf32, #tpu.memory_space<vmem_shared>>) dst(%dma_wait3A_21 : memref<632x128xf32, #tpu.memory_space<hbm>>)
      tpu.yield
    }) : () -> ()
    return
  }
}

#map = affine_map<(d0, d1) -> (0, 0, 0)>
#map1 = affine_map<(d0, d1) -> (0, 0)>
module attributes {stable_mosaic.version = 14 : i64} {
  func.func @_deg_body(%arg0: i32, %arg1: i32, %arg2: memref<32x80x128xi32, #tpu.memory_space<hbm>>, %arg3: memref<128x16xf32, #tpu.memory_space<hbm>>, %arg4: memref<10112x16xf32, #tpu.memory_space<hbm>>, %arg5: memref<2x10112x16xf32, #tpu.memory_space<hbm>>, %arg6: memref<80x128xi32, #tpu.memory_space<vmem>>, %arg7: memref<128x16xf32, #tpu.memory_space<vmem>>, %arg8: memref<10112x16xf32, #tpu.memory_space<vmem_shared>>) attributes {dimension_semantics = [#tpu.dimension_semantics<core_parallel>, #tpu.dimension_semantics<subcore_parallel>], iteration_bounds = array<i64: 2, 16>, scalar_prefetch = 0 : i64, scratch_operands = 3 : i64, tpu.core_type = #tpu.core_type<sc_vector_subcore>, window_params = [{transform_indices = #map}, {transform_indices = #map1}, {transform_indices = #map1}, {transform_indices = #map}]} {
    %mul3A = arith.constant 2 : i32
    %mul3A_0 = arith.muli %arg1, %mul3A : i32
    %add3A = arith.addi %mul3A_0, %arg0 : i32
    "tpu.region"() ({
      %run_scoped3A = tpu.sem_alloc : memref<!tpu.dma_semaphore, #tpu.memory_space<semaphore_mem>>
      %dma_start3A = arith.constant 0 : i32
      %dma_start3A_16 = arith.constant 0 : i32
      %dma_start3A_17 = tpu.memref_slice %arg2[%add3A, %dma_start3A, %dma_start3A_16] : memref<32x80x128xi32, #tpu.memory_space<hbm>> -> memref<1x80x128xi32, #tpu.memory_space<hbm>>
      %dma_start3A_18 = tpu.memref_squeeze %dma_start3A_17 : memref<1x80x128xi32, #tpu.memory_space<hbm>> -> memref<80x128xi32, #tpu.memory_space<hbm>>
      %dma_start3A_19 = arith.constant 0 : i32
      %dma_start3A_20 = arith.constant 0 : i32
      %dma_start3A_21 = tpu.memref_slice %arg2[%add3A, %dma_start3A_19, %dma_start3A_20] : memref<32x80x128xi32, #tpu.memory_space<hbm>> -> memref<1x80x128xi32, #tpu.memory_space<hbm>>
      %dma_start3A_22 = tpu.memref_squeeze %dma_start3A_21 : memref<1x80x128xi32, #tpu.memory_space<hbm>> -> memref<80x128xi32, #tpu.memory_space<hbm>>
      tpu.enqueue_dma source(%dma_start3A_22 : memref<80x128xi32, #tpu.memory_space<hbm>>) target(%arg6 : memref<80x128xi32, #tpu.memory_space<vmem>>) target_semaphore(%run_scoped3A : memref<!tpu.dma_semaphore, #tpu.memory_space<semaphore_mem>>)
      %dma_wait3A = arith.constant 0 : i32
      %dma_wait3A_23 = arith.constant 0 : i32
      %dma_wait3A_24 = tpu.memref_slice %arg2[%add3A, %dma_wait3A, %dma_wait3A_23] : memref<32x80x128xi32, #tpu.memory_space<hbm>> -> memref<1x80x128xi32, #tpu.memory_space<hbm>>
      %dma_wait3A_25 = tpu.memref_squeeze %dma_wait3A_24 : memref<1x80x128xi32, #tpu.memory_space<hbm>> -> memref<80x128xi32, #tpu.memory_space<hbm>>
      %dma_wait3A_26 = arith.constant 0 : i32
      %dma_wait3A_27 = arith.constant 0 : i32
      %dma_wait3A_28 = tpu.memref_slice %arg2[%add3A, %dma_wait3A_26, %dma_wait3A_27] : memref<32x80x128xi32, #tpu.memory_space<hbm>> -> memref<1x80x128xi32, #tpu.memory_space<hbm>>
      %dma_wait3A_29 = tpu.memref_squeeze %dma_wait3A_28 : memref<1x80x128xi32, #tpu.memory_space<hbm>> -> memref<80x128xi32, #tpu.memory_space<hbm>>
      tpu.wait_dma2 semaphore(%run_scoped3A : memref<!tpu.dma_semaphore, #tpu.memory_space<semaphore_mem>>) src(%dma_wait3A_29 : memref<80x128xi32, #tpu.memory_space<hbm>>) dst(%arg6 : memref<80x128xi32, #tpu.memory_space<vmem>>)
      tpu.yield
    }) : () -> ()
    "tpu.region"() ({
      %run_scoped3A = tpu.sem_alloc : memref<!tpu.dma_semaphore, #tpu.memory_space<semaphore_mem>>
      tpu.enqueue_dma source(%arg3 : memref<128x16xf32, #tpu.memory_space<hbm>>) target(%arg7 : memref<128x16xf32, #tpu.memory_space<vmem>>) target_semaphore(%run_scoped3A : memref<!tpu.dma_semaphore, #tpu.memory_space<semaphore_mem>>)
      tpu.wait_dma2 semaphore(%run_scoped3A : memref<!tpu.dma_semaphore, #tpu.memory_space<semaphore_mem>>) src(%arg3 : memref<128x16xf32, #tpu.memory_space<hbm>>) dst(%arg7 : memref<128x16xf32, #tpu.memory_space<vmem>>)
      tpu.yield
    }) : () -> ()
    %mul3A_1 = arith.constant 632 : i32
    %mul3A_2 = arith.muli %arg1, %mul3A_1 : i32
    %mul3A_3 = arith.constant 632 : i32
    %mul3A_4 = arith.muli %arg1, %mul3A_3 : i32
    "tpu.region"() ({
      %run_scoped3A = tpu.sem_alloc : memref<!tpu.dma_semaphore, #tpu.memory_space<semaphore_mem>>
      %dma_start3A = arith.constant 0 : i32
      %dma_start3A_16 = tpu.memref_slice %arg8[%mul3A_4, %dma_start3A] : memref<10112x16xf32, #tpu.memory_space<vmem_shared>> -> memref<632x16xf32, #tpu.memory_space<vmem_shared>>
      %dma_start3A_17 = arith.constant 0 : i32
      %dma_start3A_18 = tpu.memref_slice %arg4[%mul3A_2, %dma_start3A_17] : memref<10112x16xf32, #tpu.memory_space<hbm>> -> memref<632x16xf32, #tpu.memory_space<hbm>>
      tpu.enqueue_dma source(%dma_start3A_18 : memref<632x16xf32, #tpu.memory_space<hbm>>) target(%dma_start3A_16 : memref<632x16xf32, #tpu.memory_space<vmem_shared>>) target_semaphore(%run_scoped3A : memref<!tpu.dma_semaphore, #tpu.memory_space<semaphore_mem>>)
      %dma_wait3A = arith.constant 0 : i32
      %dma_wait3A_19 = tpu.memref_slice %arg8[%mul3A_4, %dma_wait3A] : memref<10112x16xf32, #tpu.memory_space<vmem_shared>> -> memref<632x16xf32, #tpu.memory_space<vmem_shared>>
      %dma_wait3A_20 = arith.constant 0 : i32
      %dma_wait3A_21 = tpu.memref_slice %arg4[%mul3A_2, %dma_wait3A_20] : memref<10112x16xf32, #tpu.memory_space<hbm>> -> memref<632x16xf32, #tpu.memory_space<hbm>>
      tpu.wait_dma2 semaphore(%run_scoped3A : memref<!tpu.dma_semaphore, #tpu.memory_space<semaphore_mem>>) src(%dma_wait3A_21 : memref<632x16xf32, #tpu.memory_space<hbm>>) dst(%dma_wait3A_19 : memref<632x16xf32, #tpu.memory_space<vmem_shared>>)
      tpu.yield
    }) : () -> ()
    %barrier3A = arith.constant 0 : index
    tpu.barrier barrier_id(%barrier3A)
    %scan3A = arith.constant 0 : i32
    %scan3A_5 = arith.constant 0 : i32
    %scan3A_6 = arith.constant 80 : i32
    %scan3A_7 = arith.addi %scan3A_5, %scan3A_6 : i32
    %scan3A_8 = arith.constant 1 : i32
    %scan3A_9 = scf.for %scan3A_16 = %scan3A_5 to %scan3A_7 step %scan3A_8 iter_args(%scan3A_17 = %scan3A) -> (i32)  : i32 {
      "tpu.region"() ({
        %run_scoped3A = tpu.sem_alloc : memref<!tpu.dma_semaphore, #tpu.memory_space<semaphore_mem>>
        %dma_start3A = arith.constant 0 : i32
        %dma_start3A_19 = tpu.memref_slice %arg6[%scan3A_16, %dma_start3A] : memref<80x128xi32, #tpu.memory_space<vmem>> -> memref<1x128xi32, #tpu.memory_space<vmem>>
        %dma_start3A_20 = tpu.memref_squeeze %dma_start3A_19 : memref<1x128xi32, #tpu.memory_space<vmem>> -> memref<128xi32, #tpu.memory_space<vmem>>
        %dma_start3A_21 = arith.constant 0 : i32
        %dma_start3A_22 = arith.constant 0 : i32
        %dma_start3A_23 = tpu.memref_slice %arg8[%dma_start3A_21, %dma_start3A_22] : memref<10112x16xf32, #tpu.memory_space<vmem_shared>> -> memref<10112x16xf32, #tpu.memory_space<vmem_shared>>
        tpu.enqueue_indirect_dma source(%arg7 : memref<128x16xf32, #tpu.memory_space<vmem>>) target(%dma_start3A_23 : memref<10112x16xf32, #tpu.memory_space<vmem_shared>>) offsets(%dma_start3A_20 : memref<128xi32, #tpu.memory_space<vmem>>) semaphore(%run_scoped3A : memref<!tpu.dma_semaphore, #tpu.memory_space<semaphore_mem>>) {add = true}
        %dma_wait3A = arith.constant 0 : i32
        %dma_wait3A_24 = tpu.memref_slice %arg6[%scan3A_16, %dma_wait3A] : memref<80x128xi32, #tpu.memory_space<vmem>> -> memref<1x128xi32, #tpu.memory_space<vmem>>
        %dma_wait3A_25 = tpu.memref_squeeze %dma_wait3A_24 : memref<1x128xi32, #tpu.memory_space<vmem>> -> memref<128xi32, #tpu.memory_space<vmem>>
        %dma_wait3A_26 = arith.constant 0 : i32
        %dma_wait3A_27 = arith.constant 0 : i32
        %dma_wait3A_28 = tpu.memref_slice %arg8[%dma_wait3A_26, %dma_wait3A_27] : memref<10112x16xf32, #tpu.memory_space<vmem_shared>> -> memref<10112x16xf32, #tpu.memory_space<vmem_shared>>
        tpu.wait_indirect_dma semaphore(%run_scoped3A : memref<!tpu.dma_semaphore, #tpu.memory_space<semaphore_mem>>) src(%arg7 : memref<128x16xf32, #tpu.memory_space<vmem>>) dst(%dma_wait3A_28 : memref<10112x16xf32, #tpu.memory_space<vmem_shared>>)
        tpu.yield
      }) : () -> ()
      %scan3A_18 = arith.constant 0 : i32
      scf.yield %scan3A_18 : i32
    }
    %scan3A_10 = arith.constant 80 : i32
    %barrier3A_11 = arith.constant 0 : index
    tpu.barrier barrier_id(%barrier3A_11)
    %mul3A_12 = arith.constant 632 : i32
    %mul3A_13 = arith.muli %arg1, %mul3A_12 : i32
    %mul3A_14 = arith.constant 632 : i32
    %mul3A_15 = arith.muli %arg1, %mul3A_14 : i32
    "tpu.region"() ({
      %run_scoped3A = tpu.sem_alloc : memref<!tpu.dma_semaphore, #tpu.memory_space<semaphore_mem>>
      %dma_start3A = arith.constant 0 : i32
      %dma_start3A_16 = tpu.memref_slice %arg5[%arg0, %mul3A_15, %dma_start3A] : memref<2x10112x16xf32, #tpu.memory_space<hbm>> -> memref<1x632x16xf32, #tpu.memory_space<hbm>>
      %dma_start3A_17 = tpu.memref_squeeze %dma_start3A_16 : memref<1x632x16xf32, #tpu.memory_space<hbm>> -> memref<632x16xf32, #tpu.memory_space<hbm>>
      %dma_start3A_18 = arith.constant 0 : i32
      %dma_start3A_19 = tpu.memref_slice %arg8[%mul3A_13, %dma_start3A_18] : memref<10112x16xf32, #tpu.memory_space<vmem_shared>> -> memref<632x16xf32, #tpu.memory_space<vmem_shared>>
      tpu.enqueue_dma source(%dma_start3A_19 : memref<632x16xf32, #tpu.memory_space<vmem_shared>>) target(%dma_start3A_17 : memref<632x16xf32, #tpu.memory_space<hbm>>) target_semaphore(%run_scoped3A : memref<!tpu.dma_semaphore, #tpu.memory_space<semaphore_mem>>)
      %dma_wait3A = arith.constant 0 : i32
      %dma_wait3A_20 = tpu.memref_slice %arg5[%arg0, %mul3A_15, %dma_wait3A] : memref<2x10112x16xf32, #tpu.memory_space<hbm>> -> memref<1x632x16xf32, #tpu.memory_space<hbm>>
      %dma_wait3A_21 = tpu.memref_squeeze %dma_wait3A_20 : memref<1x632x16xf32, #tpu.memory_space<hbm>> -> memref<632x16xf32, #tpu.memory_space<hbm>>
      %dma_wait3A_22 = arith.constant 0 : i32
      %dma_wait3A_23 = tpu.memref_slice %arg8[%mul3A_13, %dma_wait3A_22] : memref<10112x16xf32, #tpu.memory_space<vmem_shared>> -> memref<632x16xf32, #tpu.memory_space<vmem_shared>>
      tpu.wait_dma2 semaphore(%run_scoped3A : memref<!tpu.dma_semaphore, #tpu.memory_space<semaphore_mem>>) src(%dma_wait3A_23 : memref<632x16xf32, #tpu.memory_space<vmem_shared>>) dst(%dma_wait3A_21 : memref<632x16xf32, #tpu.memory_space<hbm>>)
      tpu.yield
    }) : () -> ()
    return
  }
}

#map = affine_map<(d0, d1) -> (0, 0)>
#map1 = affine_map<(d0, d1) -> (0, 0, 0)>
module attributes {stable_mosaic.version = 14 : i64} {
  func.func @_edge_body(%arg0: i32, %arg1: i32, %arg2: memref<10000x128xf32, #tpu.memory_space<hbm>>, %arg3: memref<32x80x128xi32, #tpu.memory_space<hbm>>, %arg4: memref<32x80x128xi32, #tpu.memory_space<hbm>>, %arg5: memref<10112x128xf32, #tpu.memory_space<hbm>>, %arg6: memref<2x10112x128xf32, #tpu.memory_space<hbm>>, %arg7: memref<80x128xi32, #tpu.memory_space<vmem>>, %arg8: memref<80x128xi32, #tpu.memory_space<vmem>>, %arg9: memref<128x128xf32, #tpu.memory_space<vmem>>, %arg10: memref<10112x128xf32, #tpu.memory_space<vmem_shared>>) attributes {dimension_semantics = [#tpu.dimension_semantics<core_parallel>, #tpu.dimension_semantics<subcore_parallel>], iteration_bounds = array<i64: 2, 16>, scalar_prefetch = 0 : i64, scratch_operands = 4 : i64, tpu.core_type = #tpu.core_type<sc_vector_subcore>, window_params = [{transform_indices = #map}, {transform_indices = #map1}, {transform_indices = #map1}, {transform_indices = #map}, {transform_indices = #map1}]} {
    %mul3A = arith.constant 2 : i32
    %mul3A_0 = arith.muli %arg1, %mul3A : i32
    %add3A = arith.addi %mul3A_0, %arg0 : i32
    "tpu.region"() ({
      %run_scoped3A = tpu.sem_alloc : memref<!tpu.dma_semaphore, #tpu.memory_space<semaphore_mem>>
      %dma_start3A = arith.constant 0 : i32
      %dma_start3A_16 = arith.constant 0 : i32
      %dma_start3A_17 = tpu.memref_slice %arg3[%add3A, %dma_start3A, %dma_start3A_16] : memref<32x80x128xi32, #tpu.memory_space<hbm>> -> memref<1x80x128xi32, #tpu.memory_space<hbm>>
      %dma_start3A_18 = tpu.memref_squeeze %dma_start3A_17 : memref<1x80x128xi32, #tpu.memory_space<hbm>> -> memref<80x128xi32, #tpu.memory_space<hbm>>
      %dma_start3A_19 = arith.constant 0 : i32
      %dma_start3A_20 = arith.constant 0 : i32
      %dma_start3A_21 = tpu.memref_slice %arg3[%add3A, %dma_start3A_19, %dma_start3A_20] : memref<32x80x128xi32, #tpu.memory_space<hbm>> -> memref<1x80x128xi32, #tpu.memory_space<hbm>>
      %dma_start3A_22 = tpu.memref_squeeze %dma_start3A_21 : memref<1x80x128xi32, #tpu.memory_space<hbm>> -> memref<80x128xi32, #tpu.memory_space<hbm>>
      tpu.enqueue_dma source(%dma_start3A_22 : memref<80x128xi32, #tpu.memory_space<hbm>>) target(%arg7 : memref<80x128xi32, #tpu.memory_space<vmem>>) target_semaphore(%run_scoped3A : memref<!tpu.dma_semaphore, #tpu.memory_space<semaphore_mem>>)
      %dma_wait3A = arith.constant 0 : i32
      %dma_wait3A_23 = arith.constant 0 : i32
      %dma_wait3A_24 = tpu.memref_slice %arg3[%add3A, %dma_wait3A, %dma_wait3A_23] : memref<32x80x128xi32, #tpu.memory_space<hbm>> -> memref<1x80x128xi32, #tpu.memory_space<hbm>>
      %dma_wait3A_25 = tpu.memref_squeeze %dma_wait3A_24 : memref<1x80x128xi32, #tpu.memory_space<hbm>> -> memref<80x128xi32, #tpu.memory_space<hbm>>
      %dma_wait3A_26 = arith.constant 0 : i32
      %dma_wait3A_27 = arith.constant 0 : i32
      %dma_wait3A_28 = tpu.memref_slice %arg3[%add3A, %dma_wait3A_26, %dma_wait3A_27] : memref<32x80x128xi32, #tpu.memory_space<hbm>> -> memref<1x80x128xi32, #tpu.memory_space<hbm>>
      %dma_wait3A_29 = tpu.memref_squeeze %dma_wait3A_28 : memref<1x80x128xi32, #tpu.memory_space<hbm>> -> memref<80x128xi32, #tpu.memory_space<hbm>>
      tpu.wait_dma2 semaphore(%run_scoped3A : memref<!tpu.dma_semaphore, #tpu.memory_space<semaphore_mem>>) src(%dma_wait3A_29 : memref<80x128xi32, #tpu.memory_space<hbm>>) dst(%arg7 : memref<80x128xi32, #tpu.memory_space<vmem>>)
      tpu.yield
    }) : () -> ()
    "tpu.region"() ({
      %run_scoped3A = tpu.sem_alloc : memref<!tpu.dma_semaphore, #tpu.memory_space<semaphore_mem>>
      %dma_start3A = arith.constant 0 : i32
      %dma_start3A_16 = arith.constant 0 : i32
      %dma_start3A_17 = tpu.memref_slice %arg4[%add3A, %dma_start3A, %dma_start3A_16] : memref<32x80x128xi32, #tpu.memory_space<hbm>> -> memref<1x80x128xi32, #tpu.memory_space<hbm>>
      %dma_start3A_18 = tpu.memref_squeeze %dma_start3A_17 : memref<1x80x128xi32, #tpu.memory_space<hbm>> -> memref<80x128xi32, #tpu.memory_space<hbm>>
      %dma_start3A_19 = arith.constant 0 : i32
      %dma_start3A_20 = arith.constant 0 : i32
      %dma_start3A_21 = tpu.memref_slice %arg4[%add3A, %dma_start3A_19, %dma_start3A_20] : memref<32x80x128xi32, #tpu.memory_space<hbm>> -> memref<1x80x128xi32, #tpu.memory_space<hbm>>
      %dma_start3A_22 = tpu.memref_squeeze %dma_start3A_21 : memref<1x80x128xi32, #tpu.memory_space<hbm>> -> memref<80x128xi32, #tpu.memory_space<hbm>>
      tpu.enqueue_dma source(%dma_start3A_22 : memref<80x128xi32, #tpu.memory_space<hbm>>) target(%arg8 : memref<80x128xi32, #tpu.memory_space<vmem>>) target_semaphore(%run_scoped3A : memref<!tpu.dma_semaphore, #tpu.memory_space<semaphore_mem>>)
      %dma_wait3A = arith.constant 0 : i32
      %dma_wait3A_23 = arith.constant 0 : i32
      %dma_wait3A_24 = tpu.memref_slice %arg4[%add3A, %dma_wait3A, %dma_wait3A_23] : memref<32x80x128xi32, #tpu.memory_space<hbm>> -> memref<1x80x128xi32, #tpu.memory_space<hbm>>
      %dma_wait3A_25 = tpu.memref_squeeze %dma_wait3A_24 : memref<1x80x128xi32, #tpu.memory_space<hbm>> -> memref<80x128xi32, #tpu.memory_space<hbm>>
      %dma_wait3A_26 = arith.constant 0 : i32
      %dma_wait3A_27 = arith.constant 0 : i32
      %dma_wait3A_28 = tpu.memref_slice %arg4[%add3A, %dma_wait3A_26, %dma_wait3A_27] : memref<32x80x128xi32, #tpu.memory_space<hbm>> -> memref<1x80x128xi32, #tpu.memory_space<hbm>>
      %dma_wait3A_29 = tpu.memref_squeeze %dma_wait3A_28 : memref<1x80x128xi32, #tpu.memory_space<hbm>> -> memref<80x128xi32, #tpu.memory_space<hbm>>
      tpu.wait_dma2 semaphore(%run_scoped3A : memref<!tpu.dma_semaphore, #tpu.memory_space<semaphore_mem>>) src(%dma_wait3A_29 : memref<80x128xi32, #tpu.memory_space<hbm>>) dst(%arg8 : memref<80x128xi32, #tpu.memory_space<vmem>>)
      tpu.yield
    }) : () -> ()
    %mul3A_1 = arith.constant 632 : i32
    %mul3A_2 = arith.muli %arg1, %mul3A_1 : i32
    %mul3A_3 = arith.constant 632 : i32
    %mul3A_4 = arith.muli %arg1, %mul3A_3 : i32
    "tpu.region"() ({
      %run_scoped3A = tpu.sem_alloc : memref<!tpu.dma_semaphore, #tpu.memory_space<semaphore_mem>>
      %dma_start3A = arith.constant 0 : i32
      %dma_start3A_16 = tpu.memref_slice %arg10[%mul3A_4, %dma_start3A] : memref<10112x128xf32, #tpu.memory_space<vmem_shared>> -> memref<632x128xf32, #tpu.memory_space<vmem_shared>>
      %dma_start3A_17 = arith.constant 0 : i32
      %dma_start3A_18 = tpu.memref_slice %arg5[%mul3A_2, %dma_start3A_17] : memref<10112x128xf32, #tpu.memory_space<hbm>> -> memref<632x128xf32, #tpu.memory_space<hbm>>
      tpu.enqueue_dma source(%dma_start3A_18 : memref<632x128xf32, #tpu.memory_space<hbm>>) target(%dma_start3A_16 : memref<632x128xf32, #tpu.memory_space<vmem_shared>>) target_semaphore(%run_scoped3A : memref<!tpu.dma_semaphore, #tpu.memory_space<semaphore_mem>>)
      %dma_wait3A = arith.constant 0 : i32
      %dma_wait3A_19 = tpu.memref_slice %arg10[%mul3A_4, %dma_wait3A] : memref<10112x128xf32, #tpu.memory_space<vmem_shared>> -> memref<632x128xf32, #tpu.memory_space<vmem_shared>>
      %dma_wait3A_20 = arith.constant 0 : i32
      %dma_wait3A_21 = tpu.memref_slice %arg5[%mul3A_2, %dma_wait3A_20] : memref<10112x128xf32, #tpu.memory_space<hbm>> -> memref<632x128xf32, #tpu.memory_space<hbm>>
      tpu.wait_dma2 semaphore(%run_scoped3A : memref<!tpu.dma_semaphore, #tpu.memory_space<semaphore_mem>>) src(%dma_wait3A_21 : memref<632x128xf32, #tpu.memory_space<hbm>>) dst(%dma_wait3A_19 : memref<632x128xf32, #tpu.memory_space<vmem_shared>>)
      tpu.yield
    }) : () -> ()
    %barrier3A = arith.constant 0 : index
    tpu.barrier barrier_id(%barrier3A)
    %scan3A = arith.constant 0 : i32
    %scan3A_5 = arith.constant 0 : i32
    %scan3A_6 = arith.constant 80 : i32
    %scan3A_7 = arith.addi %scan3A_5, %scan3A_6 : i32
    %scan3A_8 = arith.constant 1 : i32
    %scan3A_9 = scf.for %scan3A_16 = %scan3A_5 to %scan3A_7 step %scan3A_8 iter_args(%scan3A_17 = %scan3A) -> (i32)  : i32 {
      "tpu.region"() ({
        %run_scoped3A = tpu.sem_alloc : memref<!tpu.dma_semaphore, #tpu.memory_space<semaphore_mem>>
        %dma_start3A = arith.constant 0 : i32
        %dma_start3A_19 = tpu.memref_slice %arg7[%scan3A_16, %dma_start3A] : memref<80x128xi32, #tpu.memory_space<vmem>> -> memref<1x128xi32, #tpu.memory_space<vmem>>
        %dma_start3A_20 = tpu.memref_squeeze %dma_start3A_19 : memref<1x128xi32, #tpu.memory_space<vmem>> -> memref<128xi32, #tpu.memory_space<vmem>>
        %dma_start3A_21 = arith.constant 0 : i32
        %dma_start3A_22 = arith.constant 0 : i32
        %dma_start3A_23 = tpu.memref_slice %arg2[%dma_start3A_21, %dma_start3A_22] : memref<10000x128xf32, #tpu.memory_space<hbm>> -> memref<10000x128xf32, #tpu.memory_space<hbm>>
        tpu.enqueue_indirect_dma source(%dma_start3A_23 : memref<10000x128xf32, #tpu.memory_space<hbm>>) target(%arg9 : memref<128x128xf32, #tpu.memory_space<vmem>>) offsets(%dma_start3A_20 : memref<128xi32, #tpu.memory_space<vmem>>) semaphore(%run_scoped3A : memref<!tpu.dma_semaphore, #tpu.memory_space<semaphore_mem>>)
        %dma_wait3A = arith.constant 0 : i32
        %dma_wait3A_24 = tpu.memref_slice %arg7[%scan3A_16, %dma_wait3A] : memref<80x128xi32, #tpu.memory_space<vmem>> -> memref<1x128xi32, #tpu.memory_space<vmem>>
        %dma_wait3A_25 = tpu.memref_squeeze %dma_wait3A_24 : memref<1x128xi32, #tpu.memory_space<vmem>> -> memref<128xi32, #tpu.memory_space<vmem>>
        %dma_wait3A_26 = arith.constant 0 : i32
        %dma_wait3A_27 = arith.constant 0 : i32
        %dma_wait3A_28 = tpu.memref_slice %arg2[%dma_wait3A_26, %dma_wait3A_27] : memref<10000x128xf32, #tpu.memory_space<hbm>> -> memref<10000x128xf32, #tpu.memory_space<hbm>>
        tpu.wait_indirect_dma semaphore(%run_scoped3A : memref<!tpu.dma_semaphore, #tpu.memory_space<semaphore_mem>>) src(%dma_wait3A_28 : memref<10000x128xf32, #tpu.memory_space<hbm>>) dst(%arg9 : memref<128x128xf32, #tpu.memory_space<vmem>>)
        tpu.yield
      }) : () -> ()
      "tpu.region"() ({
        %run_scoped3A = tpu.sem_alloc : memref<!tpu.dma_semaphore, #tpu.memory_space<semaphore_mem>>
        %dma_start3A = arith.constant 0 : i32
        %dma_start3A_19 = tpu.memref_slice %arg8[%scan3A_16, %dma_start3A] : memref<80x128xi32, #tpu.memory_space<vmem>> -> memref<1x128xi32, #tpu.memory_space<vmem>>
        %dma_start3A_20 = tpu.memref_squeeze %dma_start3A_19 : memref<1x128xi32, #tpu.memory_space<vmem>> -> memref<128xi32, #tpu.memory_space<vmem>>
        %dma_start3A_21 = arith.constant 0 : i32
        %dma_start3A_22 = arith.constant 0 : i32
        %dma_start3A_23 = tpu.memref_slice %arg10[%dma_start3A_21, %dma_start3A_22] : memref<10112x128xf32, #tpu.memory_space<vmem_shared>> -> memref<10112x128xf32, #tpu.memory_space<vmem_shared>>
        tpu.enqueue_indirect_dma source(%arg9 : memref<128x128xf32, #tpu.memory_space<vmem>>) target(%dma_start3A_23 : memref<10112x128xf32, #tpu.memory_space<vmem_shared>>) offsets(%dma_start3A_20 : memref<128xi32, #tpu.memory_space<vmem>>) semaphore(%run_scoped3A : memref<!tpu.dma_semaphore, #tpu.memory_space<semaphore_mem>>) {add = true}
        %dma_wait3A = arith.constant 0 : i32
        %dma_wait3A_24 = tpu.memref_slice %arg8[%scan3A_16, %dma_wait3A] : memref<80x128xi32, #tpu.memory_space<vmem>> -> memref<1x128xi32, #tpu.memory_space<vmem>>
        %dma_wait3A_25 = tpu.memref_squeeze %dma_wait3A_24 : memref<1x128xi32, #tpu.memory_space<vmem>> -> memref<128xi32, #tpu.memory_space<vmem>>
        %dma_wait3A_26 = arith.constant 0 : i32
        %dma_wait3A_27 = arith.constant 0 : i32
        %dma_wait3A_28 = tpu.memref_slice %arg10[%dma_wait3A_26, %dma_wait3A_27] : memref<10112x128xf32, #tpu.memory_space<vmem_shared>> -> memref<10112x128xf32, #tpu.memory_space<vmem_shared>>
        tpu.wait_indirect_dma semaphore(%run_scoped3A : memref<!tpu.dma_semaphore, #tpu.memory_space<semaphore_mem>>) src(%arg9 : memref<128x128xf32, #tpu.memory_space<vmem>>) dst(%dma_wait3A_28 : memref<10112x128xf32, #tpu.memory_space<vmem_shared>>)
        tpu.yield
      }) : () -> ()
      %scan3A_18 = arith.constant 0 : i32
      scf.yield %scan3A_18 : i32
    }
    %scan3A_10 = arith.constant 80 : i32
    %barrier3A_11 = arith.constant 0 : index
    tpu.barrier barrier_id(%barrier3A_11)
    %mul3A_12 = arith.constant 632 : i32
    %mul3A_13 = arith.muli %arg1, %mul3A_12 : i32
    %mul3A_14 = arith.constant 632 : i32
    %mul3A_15 = arith.muli %arg1, %mul3A_14 : i32
    "tpu.region"() ({
      %run_scoped3A = tpu.sem_alloc : memref<!tpu.dma_semaphore, #tpu.memory_space<semaphore_mem>>
      %dma_start3A = arith.constant 0 : i32
      %dma_start3A_16 = tpu.memref_slice %arg6[%arg0, %mul3A_15, %dma_start3A] : memref<2x10112x128xf32, #tpu.memory_space<hbm>> -> memref<1x632x128xf32, #tpu.memory_space<hbm>>
      %dma_start3A_17 = tpu.memref_squeeze %dma_start3A_16 : memref<1x632x128xf32, #tpu.memory_space<hbm>> -> memref<632x128xf32, #tpu.memory_space<hbm>>
      %dma_start3A_18 = arith.constant 0 : i32
      %dma_start3A_19 = tpu.memref_slice %arg10[%mul3A_13, %dma_start3A_18] : memref<10112x128xf32, #tpu.memory_space<vmem_shared>> -> memref<632x128xf32, #tpu.memory_space<vmem_shared>>
      tpu.enqueue_dma source(%dma_start3A_19 : memref<632x128xf32, #tpu.memory_space<vmem_shared>>) target(%dma_start3A_17 : memref<632x128xf32, #tpu.memory_space<hbm>>) target_semaphore(%run_scoped3A : memref<!tpu.dma_semaphore, #tpu.memory_space<semaphore_mem>>)
      %dma_wait3A = arith.constant 0 : i32
      %dma_wait3A_20 = tpu.memref_slice %arg6[%arg0, %mul3A_15, %dma_wait3A] : memref<2x10112x128xf32, #tpu.memory_space<hbm>> -> memref<1x632x128xf32, #tpu.memory_space<hbm>>
      %dma_wait3A_21 = tpu.memref_squeeze %dma_wait3A_20 : memref<1x632x128xf32, #tpu.memory_space<hbm>> -> memref<632x128xf32, #tpu.memory_space<hbm>>
      %dma_wait3A_22 = arith.constant 0 : i32
      %dma_wait3A_23 = tpu.memref_slice %arg10[%mul3A_13, %dma_wait3A_22] : memref<10112x128xf32, #tpu.memory_space<vmem_shared>> -> memref<632x128xf32, #tpu.memory_space<vmem_shared>>
      tpu.wait_dma2 semaphore(%run_scoped3A : memref<!tpu.dma_semaphore, #tpu.memory_space<semaphore_mem>>) src(%dma_wait3A_23 : memref<632x128xf32, #tpu.memory_space<vmem_shared>>) dst(%dma_wait3A_21 : memref<632x128xf32, #tpu.memory_space<hbm>>)
      tpu.yield
    }) : () -> ()
    return
  }
}

#map = affine_map<(d0, d1) -> (0, 0)>
#map1 = affine_map<(d0, d1) -> (0, 0, 0)>
module attributes {stable_mosaic.version = 14 : i64} {
  func.func @_edge_body(%arg0: i32, %arg1: i32, %arg2: memref<10000x128xf32, #tpu.memory_space<hbm>>, %arg3: memref<32x80x128xi32, #tpu.memory_space<hbm>>, %arg4: memref<32x80x128xi32, #tpu.memory_space<hbm>>, %arg5: memref<10112x128xf32, #tpu.memory_space<hbm>>, %arg6: memref<2x10112x128xf32, #tpu.memory_space<hbm>>, %arg7: memref<80x128xi32, #tpu.memory_space<vmem>>, %arg8: memref<80x128xi32, #tpu.memory_space<vmem>>, %arg9: memref<128x128xf32, #tpu.memory_space<vmem>>, %arg10: memref<10112x128xf32, #tpu.memory_space<vmem_shared>>) attributes {dimension_semantics = [#tpu.dimension_semantics<core_parallel>, #tpu.dimension_semantics<subcore_parallel>], iteration_bounds = array<i64: 2, 16>, scalar_prefetch = 0 : i64, scratch_operands = 4 : i64, tpu.core_type = #tpu.core_type<sc_vector_subcore>, window_params = [{transform_indices = #map}, {transform_indices = #map1}, {transform_indices = #map1}, {transform_indices = #map}, {transform_indices = #map1}]} {
    %mul3A = arith.constant 2 : i32
    %mul3A_0 = arith.muli %arg1, %mul3A : i32
    %add3A = arith.addi %mul3A_0, %arg0 : i32
    "tpu.region"() ({
      %run_scoped3A = tpu.sem_alloc : memref<!tpu.dma_semaphore, #tpu.memory_space<semaphore_mem>>
      %dma_start3A = arith.constant 0 : i32
      %dma_start3A_16 = arith.constant 0 : i32
      %dma_start3A_17 = tpu.memref_slice %arg3[%add3A, %dma_start3A, %dma_start3A_16] : memref<32x80x128xi32, #tpu.memory_space<hbm>> -> memref<1x80x128xi32, #tpu.memory_space<hbm>>
      %dma_start3A_18 = tpu.memref_squeeze %dma_start3A_17 : memref<1x80x128xi32, #tpu.memory_space<hbm>> -> memref<80x128xi32, #tpu.memory_space<hbm>>
      %dma_start3A_19 = arith.constant 0 : i32
      %dma_start3A_20 = arith.constant 0 : i32
      %dma_start3A_21 = tpu.memref_slice %arg3[%add3A, %dma_start3A_19, %dma_start3A_20] : memref<32x80x128xi32, #tpu.memory_space<hbm>> -> memref<1x80x128xi32, #tpu.memory_space<hbm>>
      %dma_start3A_22 = tpu.memref_squeeze %dma_start3A_21 : memref<1x80x128xi32, #tpu.memory_space<hbm>> -> memref<80x128xi32, #tpu.memory_space<hbm>>
      tpu.enqueue_dma source(%dma_start3A_22 : memref<80x128xi32, #tpu.memory_space<hbm>>) target(%arg7 : memref<80x128xi32, #tpu.memory_space<vmem>>) target_semaphore(%run_scoped3A : memref<!tpu.dma_semaphore, #tpu.memory_space<semaphore_mem>>)
      %dma_wait3A = arith.constant 0 : i32
      %dma_wait3A_23 = arith.constant 0 : i32
      %dma_wait3A_24 = tpu.memref_slice %arg3[%add3A, %dma_wait3A, %dma_wait3A_23] : memref<32x80x128xi32, #tpu.memory_space<hbm>> -> memref<1x80x128xi32, #tpu.memory_space<hbm>>
      %dma_wait3A_25 = tpu.memref_squeeze %dma_wait3A_24 : memref<1x80x128xi32, #tpu.memory_space<hbm>> -> memref<80x128xi32, #tpu.memory_space<hbm>>
      %dma_wait3A_26 = arith.constant 0 : i32
      %dma_wait3A_27 = arith.constant 0 : i32
      %dma_wait3A_28 = tpu.memref_slice %arg3[%add3A, %dma_wait3A_26, %dma_wait3A_27] : memref<32x80x128xi32, #tpu.memory_space<hbm>> -> memref<1x80x128xi32, #tpu.memory_space<hbm>>
      %dma_wait3A_29 = tpu.memref_squeeze %dma_wait3A_28 : memref<1x80x128xi32, #tpu.memory_space<hbm>> -> memref<80x128xi32, #tpu.memory_space<hbm>>
      tpu.wait_dma2 semaphore(%run_scoped3A : memref<!tpu.dma_semaphore, #tpu.memory_space<semaphore_mem>>) src(%dma_wait3A_29 : memref<80x128xi32, #tpu.memory_space<hbm>>) dst(%arg7 : memref<80x128xi32, #tpu.memory_space<vmem>>)
      tpu.yield
    }) : () -> ()
    "tpu.region"() ({
      %run_scoped3A = tpu.sem_alloc : memref<!tpu.dma_semaphore, #tpu.memory_space<semaphore_mem>>
      %dma_start3A = arith.constant 0 : i32
      %dma_start3A_16 = arith.constant 0 : i32
      %dma_start3A_17 = tpu.memref_slice %arg4[%add3A, %dma_start3A, %dma_start3A_16] : memref<32x80x128xi32, #tpu.memory_space<hbm>> -> memref<1x80x128xi32, #tpu.memory_space<hbm>>
      %dma_start3A_18 = tpu.memref_squeeze %dma_start3A_17 : memref<1x80x128xi32, #tpu.memory_space<hbm>> -> memref<80x128xi32, #tpu.memory_space<hbm>>
      %dma_start3A_19 = arith.constant 0 : i32
      %dma_start3A_20 = arith.constant 0 : i32
      %dma_start3A_21 = tpu.memref_slice %arg4[%add3A, %dma_start3A_19, %dma_start3A_20] : memref<32x80x128xi32, #tpu.memory_space<hbm>> -> memref<1x80x128xi32, #tpu.memory_space<hbm>>
      %dma_start3A_22 = tpu.memref_squeeze %dma_start3A_21 : memref<1x80x128xi32, #tpu.memory_space<hbm>> -> memref<80x128xi32, #tpu.memory_space<hbm>>
      tpu.enqueue_dma source(%dma_start3A_22 : memref<80x128xi32, #tpu.memory_space<hbm>>) target(%arg8 : memref<80x128xi32, #tpu.memory_space<vmem>>) target_semaphore(%run_scoped3A : memref<!tpu.dma_semaphore, #tpu.memory_space<semaphore_mem>>)
      %dma_wait3A = arith.constant 0 : i32
      %dma_wait3A_23 = arith.constant 0 : i32
      %dma_wait3A_24 = tpu.memref_slice %arg4[%add3A, %dma_wait3A, %dma_wait3A_23] : memref<32x80x128xi32, #tpu.memory_space<hbm>> -> memref<1x80x128xi32, #tpu.memory_space<hbm>>
      %dma_wait3A_25 = tpu.memref_squeeze %dma_wait3A_24 : memref<1x80x128xi32, #tpu.memory_space<hbm>> -> memref<80x128xi32, #tpu.memory_space<hbm>>
      %dma_wait3A_26 = arith.constant 0 : i32
      %dma_wait3A_27 = arith.constant 0 : i32
      %dma_wait3A_28 = tpu.memref_slice %arg4[%add3A, %dma_wait3A_26, %dma_wait3A_27] : memref<32x80x128xi32, #tpu.memory_space<hbm>> -> memref<1x80x128xi32, #tpu.memory_space<hbm>>
      %dma_wait3A_29 = tpu.memref_squeeze %dma_wait3A_28 : memref<1x80x128xi32, #tpu.memory_space<hbm>> -> memref<80x128xi32, #tpu.memory_space<hbm>>
      tpu.wait_dma2 semaphore(%run_scoped3A : memref<!tpu.dma_semaphore, #tpu.memory_space<semaphore_mem>>) src(%dma_wait3A_29 : memref<80x128xi32, #tpu.memory_space<hbm>>) dst(%arg8 : memref<80x128xi32, #tpu.memory_space<vmem>>)
      tpu.yield
    }) : () -> ()
    %mul3A_1 = arith.constant 632 : i32
    %mul3A_2 = arith.muli %arg1, %mul3A_1 : i32
    %mul3A_3 = arith.constant 632 : i32
    %mul3A_4 = arith.muli %arg1, %mul3A_3 : i32
    "tpu.region"() ({
      %run_scoped3A = tpu.sem_alloc : memref<!tpu.dma_semaphore, #tpu.memory_space<semaphore_mem>>
      %dma_start3A = arith.constant 0 : i32
      %dma_start3A_16 = tpu.memref_slice %arg10[%mul3A_4, %dma_start3A] : memref<10112x128xf32, #tpu.memory_space<vmem_shared>> -> memref<632x128xf32, #tpu.memory_space<vmem_shared>>
      %dma_start3A_17 = arith.constant 0 : i32
      %dma_start3A_18 = tpu.memref_slice %arg5[%mul3A_2, %dma_start3A_17] : memref<10112x128xf32, #tpu.memory_space<hbm>> -> memref<632x128xf32, #tpu.memory_space<hbm>>
      tpu.enqueue_dma source(%dma_start3A_18 : memref<632x128xf32, #tpu.memory_space<hbm>>) target(%dma_start3A_16 : memref<632x128xf32, #tpu.memory_space<vmem_shared>>) target_semaphore(%run_scoped3A : memref<!tpu.dma_semaphore, #tpu.memory_space<semaphore_mem>>)
      %dma_wait3A = arith.constant 0 : i32
      %dma_wait3A_19 = tpu.memref_slice %arg10[%mul3A_4, %dma_wait3A] : memref<10112x128xf32, #tpu.memory_space<vmem_shared>> -> memref<632x128xf32, #tpu.memory_space<vmem_shared>>
      %dma_wait3A_20 = arith.constant 0 : i32
      %dma_wait3A_21 = tpu.memref_slice %arg5[%mul3A_2, %dma_wait3A_20] : memref<10112x128xf32, #tpu.memory_space<hbm>> -> memref<632x128xf32, #tpu.memory_space<hbm>>
      tpu.wait_dma2 semaphore(%run_scoped3A : memref<!tpu.dma_semaphore, #tpu.memory_space<semaphore_mem>>) src(%dma_wait3A_21 : memref<632x128xf32, #tpu.memory_space<hbm>>) dst(%dma_wait3A_19 : memref<632x128xf32, #tpu.memory_space<vmem_shared>>)
      tpu.yield
    }) : () -> ()
    %barrier3A = arith.constant 0 : index
    tpu.barrier barrier_id(%barrier3A)
    %scan3A = arith.constant 0 : i32
    %scan3A_5 = arith.constant 0 : i32
    %scan3A_6 = arith.constant 80 : i32
    %scan3A_7 = arith.addi %scan3A_5, %scan3A_6 : i32
    %scan3A_8 = arith.constant 1 : i32
    %scan3A_9 = scf.for %scan3A_16 = %scan3A_5 to %scan3A_7 step %scan3A_8 iter_args(%scan3A_17 = %scan3A) -> (i32)  : i32 {
      "tpu.region"() ({
        %run_scoped3A = tpu.sem_alloc : memref<!tpu.dma_semaphore, #tpu.memory_space<semaphore_mem>>
        %dma_start3A = arith.constant 0 : i32
        %dma_start3A_19 = tpu.memref_slice %arg7[%scan3A_16, %dma_start3A] : memref<80x128xi32, #tpu.memory_space<vmem>> -> memref<1x128xi32, #tpu.memory_space<vmem>>
        %dma_start3A_20 = tpu.memref_squeeze %dma_start3A_19 : memref<1x128xi32, #tpu.memory_space<vmem>> -> memref<128xi32, #tpu.memory_space<vmem>>
        %dma_start3A_21 = arith.constant 0 : i32
        %dma_start3A_22 = arith.constant 0 : i32
        %dma_start3A_23 = tpu.memref_slice %arg2[%dma_start3A_21, %dma_start3A_22] : memref<10000x128xf32, #tpu.memory_space<hbm>> -> memref<10000x128xf32, #tpu.memory_space<hbm>>
        tpu.enqueue_indirect_dma source(%dma_start3A_23 : memref<10000x128xf32, #tpu.memory_space<hbm>>) target(%arg9 : memref<128x128xf32, #tpu.memory_space<vmem>>) offsets(%dma_start3A_20 : memref<128xi32, #tpu.memory_space<vmem>>) semaphore(%run_scoped3A : memref<!tpu.dma_semaphore, #tpu.memory_space<semaphore_mem>>)
        %dma_wait3A = arith.constant 0 : i32
        %dma_wait3A_24 = tpu.memref_slice %arg7[%scan3A_16, %dma_wait3A] : memref<80x128xi32, #tpu.memory_space<vmem>> -> memref<1x128xi32, #tpu.memory_space<vmem>>
        %dma_wait3A_25 = tpu.memref_squeeze %dma_wait3A_24 : memref<1x128xi32, #tpu.memory_space<vmem>> -> memref<128xi32, #tpu.memory_space<vmem>>
        %dma_wait3A_26 = arith.constant 0 : i32
        %dma_wait3A_27 = arith.constant 0 : i32
        %dma_wait3A_28 = tpu.memref_slice %arg2[%dma_wait3A_26, %dma_wait3A_27] : memref<10000x128xf32, #tpu.memory_space<hbm>> -> memref<10000x128xf32, #tpu.memory_space<hbm>>
        tpu.wait_indirect_dma semaphore(%run_scoped3A : memref<!tpu.dma_semaphore, #tpu.memory_space<semaphore_mem>>) src(%dma_wait3A_28 : memref<10000x128xf32, #tpu.memory_space<hbm>>) dst(%arg9 : memref<128x128xf32, #tpu.memory_space<vmem>>)
        tpu.yield
      }) : () -> ()
      "tpu.region"() ({
        %run_scoped3A = tpu.sem_alloc : memref<!tpu.dma_semaphore, #tpu.memory_space<semaphore_mem>>
        %dma_start3A = arith.constant 0 : i32
        %dma_start3A_19 = tpu.memref_slice %arg8[%scan3A_16, %dma_start3A] : memref<80x128xi32, #tpu.memory_space<vmem>> -> memref<1x128xi32, #tpu.memory_space<vmem>>
        %dma_start3A_20 = tpu.memref_squeeze %dma_start3A_19 : memref<1x128xi32, #tpu.memory_space<vmem>> -> memref<128xi32, #tpu.memory_space<vmem>>
        %dma_start3A_21 = arith.constant 0 : i32
        %dma_start3A_22 = arith.constant 0 : i32
        %dma_start3A_23 = tpu.memref_slice %arg10[%dma_start3A_21, %dma_start3A_22] : memref<10112x128xf32, #tpu.memory_space<vmem_shared>> -> memref<10112x128xf32, #tpu.memory_space<vmem_shared>>
        tpu.enqueue_indirect_dma source(%arg9 : memref<128x128xf32, #tpu.memory_space<vmem>>) target(%dma_start3A_23 : memref<10112x128xf32, #tpu.memory_space<vmem_shared>>) offsets(%dma_start3A_20 : memref<128xi32, #tpu.memory_space<vmem>>) semaphore(%run_scoped3A : memref<!tpu.dma_semaphore, #tpu.memory_space<semaphore_mem>>) {add = true}
        %dma_wait3A = arith.constant 0 : i32
        %dma_wait3A_24 = tpu.memref_slice %arg8[%scan3A_16, %dma_wait3A] : memref<80x128xi32, #tpu.memory_space<vmem>> -> memref<1x128xi32, #tpu.memory_space<vmem>>
        %dma_wait3A_25 = tpu.memref_squeeze %dma_wait3A_24 : memref<1x128xi32, #tpu.memory_space<vmem>> -> memref<128xi32, #tpu.memory_space<vmem>>
        %dma_wait3A_26 = arith.constant 0 : i32
        %dma_wait3A_27 = arith.constant 0 : i32
        %dma_wait3A_28 = tpu.memref_slice %arg10[%dma_wait3A_26, %dma_wait3A_27] : memref<10112x128xf32, #tpu.memory_space<vmem_shared>> -> memref<10112x128xf32, #tpu.memory_space<vmem_shared>>
        tpu.wait_indirect_dma semaphore(%run_scoped3A : memref<!tpu.dma_semaphore, #tpu.memory_space<semaphore_mem>>) src(%arg9 : memref<128x128xf32, #tpu.memory_space<vmem>>) dst(%dma_wait3A_28 : memref<10112x128xf32, #tpu.memory_space<vmem_shared>>)
        tpu.yield
      }) : () -> ()
      %scan3A_18 = arith.constant 0 : i32
      scf.yield %scan3A_18 : i32
    }
    %scan3A_10 = arith.constant 80 : i32
    %barrier3A_11 = arith.constant 0 : index
    tpu.barrier barrier_id(%barrier3A_11)
    %mul3A_12 = arith.constant 632 : i32
    %mul3A_13 = arith.muli %arg1, %mul3A_12 : i32
    %mul3A_14 = arith.constant 632 : i32
    %mul3A_15 = arith.muli %arg1, %mul3A_14 : i32
    "tpu.region"() ({
      %run_scoped3A = tpu.sem_alloc : memref<!tpu.dma_semaphore, #tpu.memory_space<semaphore_mem>>
      %dma_start3A = arith.constant 0 : i32
      %dma_start3A_16 = tpu.memref_slice %arg6[%arg0, %mul3A_15, %dma_start3A] : memref<2x10112x128xf32, #tpu.memory_space<hbm>> -> memref<1x632x128xf32, #tpu.memory_space<hbm>>
      %dma_start3A_17 = tpu.memref_squeeze %dma_start3A_16 : memref<1x632x128xf32, #tpu.memory_space<hbm>> -> memref<632x128xf32, #tpu.memory_space<hbm>>
      %dma_start3A_18 = arith.constant 0 : i32
      %dma_start3A_19 = tpu.memref_slice %arg10[%mul3A_13, %dma_start3A_18] : memref<10112x128xf32, #tpu.memory_space<vmem_shared>> -> memref<632x128xf32, #tpu.memory_space<vmem_shared>>
      tpu.enqueue_dma source(%dma_start3A_19 : memref<632x128xf32, #tpu.memory_space<vmem_shared>>) target(%dma_start3A_17 : memref<632x128xf32, #tpu.memory_space<hbm>>) target_semaphore(%run_scoped3A : memref<!tpu.dma_semaphore, #tpu.memory_space<semaphore_mem>>)
      %dma_wait3A = arith.constant 0 : i32
      %dma_wait3A_20 = tpu.memref_slice %arg6[%arg0, %mul3A_15, %dma_wait3A] : memref<2x10112x128xf32, #tpu.memory_space<hbm>> -> memref<1x632x128xf32, #tpu.memory_space<hbm>>
      %dma_wait3A_21 = tpu.memref_squeeze %dma_wait3A_20 : memref<1x632x128xf32, #tpu.memory_space<hbm>> -> memref<632x128xf32, #tpu.memory_space<hbm>>
      %dma_wait3A_22 = arith.constant 0 : i32
      %dma_wait3A_23 = tpu.memref_slice %arg10[%mul3A_13, %dma_wait3A_22] : memref<10112x128xf32, #tpu.memory_space<vmem_shared>> -> memref<632x128xf32, #tpu.memory_space<vmem_shared>>
      tpu.wait_dma2 semaphore(%run_scoped3A : memref<!tpu.dma_semaphore, #tpu.memory_space<semaphore_mem>>) src(%dma_wait3A_23 : memref<632x128xf32, #tpu.memory_space<vmem_shared>>) dst(%dma_wait3A_21 : memref<632x128xf32, #tpu.memory_space<hbm>>)
      tpu.yield
    }) : () -> ()
    return
  }
}

module attributes {stable_mosaic.version = 14 : i64} {
  func.func @_pre_body(%arg0: memref<10000x128xf32, #tpu.memory_space<vmem>>, %arg1: memref<2x10112x16xf32, #tpu.memory_space<vmem>>, %arg2: memref<128xf32, #tpu.memory_space<vmem>>, %arg3: memref<128xf32, #tpu.memory_space<vmem>>, %arg4: memref<128x128xf32, #tpu.memory_space<vmem>>, %arg5: memref<128xf32, #tpu.memory_space<vmem>>, %arg6: memref<128xf32, #tpu.memory_space<vmem>>, %arg7: memref<128x128xf32, #tpu.memory_space<vmem>>, %arg8: memref<10000x128xf32, #tpu.memory_space<vmem>>) attributes {dimension_semantics = [], scalar_prefetch = 0 : i64, scratch_operands = 0 : i64, tpu.core_type = #tpu.core_type<tc>} {
    %get3A = arith.constant 0 : index
    %get3A_0 = arith.constant 0 : index
    %get3A_1 = vector.load %arg0[%get3A, %get3A_0] : memref<10000x128xf32, #tpu.memory_space<vmem>>, vector<10000x128xf32>
    %get3A_2 = arith.constant 0 : index
    %get3A_3 = vector.load %arg2[%get3A_2] : memref<128xf32, #tpu.memory_space<vmem>>, vector<128xf32>
    %get3A_4 = arith.constant 0 : index
    %get3A_5 = vector.load %arg3[%get3A_4] : memref<128xf32, #tpu.memory_space<vmem>>, vector<128xf32>
    %reduce_sum3A = arith.constant dense<0.000000e+00> : vector<128xf32>
    %reduce_sum3A_6 = vector.multi_reduction <add>, %get3A_1, %reduce_sum3A [0] : vector<10000x128xf32> to vector<128xf32>
    %broadcast_in_dim3A = vector.shape_cast %reduce_sum3A_6 : vector<128xf32> to vector<1x128xf32>
    %div3A = arith.constant 1.000000e+04 : f32
    %div3A_7 = vector.broadcast %div3A : f32 to vector<1x128xf32>
    %div3A_8 = arith.divf %broadcast_in_dim3A, %div3A_7 : vector<1x128xf32>
    %jit3A = arith.constant 0 : i32
    %reduce_sum3A_9 = arith.constant dense<0.000000e+00> : vector<128xf32>
    %reduce_sum3A_10 = vector.multi_reduction <add>, %get3A_1, %reduce_sum3A_9 [0] : vector<10000x128xf32> to vector<128xf32>
    %broadcast_in_dim3A_11 = vector.shape_cast %reduce_sum3A_10 : vector<128xf32> to vector<1x128xf32>
    %div3A_12 = arith.constant 1.000000e+04 : f32
    %div3A_13 = vector.broadcast %div3A_12 : f32 to vector<1x128xf32>
    %div3A_14 = arith.divf %broadcast_in_dim3A_11, %div3A_13 : vector<1x128xf32>
    %sub3A = vector.broadcast %div3A_14 : vector<1x128xf32> to vector<10000x128xf32>
    %sub3A_15 = arith.subf %get3A_1, %sub3A : vector<10000x128xf32>
    %square3A = arith.mulf %sub3A_15, %sub3A_15 : vector<10000x128xf32>
    %convert_element_type3A = arith.sitofp %jit3A : i32 to f32
    %sub3A_16 = arith.constant 1.000000e+04 : f32
    %sub3A_17 = arith.subf %sub3A_16, %convert_element_type3A : f32
    %reduce_sum3A_18 = arith.constant dense<0.000000e+00> : vector<128xf32>
    %reduce_sum3A_19 = vector.multi_reduction <add>, %square3A, %reduce_sum3A_18 [0] : vector<10000x128xf32> to vector<128xf32>
    %broadcast_in_dim3A_20 = vector.shape_cast %reduce_sum3A_19 : vector<128xf32> to vector<1x128xf32>
    %div3A_21 = vector.broadcast %sub3A_17 : f32 to vector<1x128xf32>
    %div3A_22 = arith.divf %broadcast_in_dim3A_20, %div3A_21 : vector<1x128xf32>
    %gt3A = arith.constant 0.000000e+00 : f32
    %gt3A_23 = arith.cmpf ogt, %sub3A_17, %gt3A : f32
    %jit3A_24 = arith.constant 0x7FC00000 : f32
    %broadcast_in_dim3A_25 = vector.broadcast %jit3A_24 : f32 to vector<1x128xf32>
    %select_n3A = arith.select %gt3A_23, %div3A_22, %broadcast_in_dim3A_25 : vector<1x128xf32>
    %sub3A_26 = vector.broadcast %div3A_8 : vector<1x128xf32> to vector<10000x128xf32>
    %sub3A_27 = arith.subf %get3A_1, %sub3A_26 : vector<10000x128xf32>
    %broadcast_in_dim3A_28 = vector.shape_cast %get3A_3 : vector<128xf32> to vector<1x128xf32>
    %mul3A = vector.broadcast %broadcast_in_dim3A_28 : vector<1x128xf32> to vector<10000x128xf32>
    %mul3A_29 = arith.mulf %mul3A, %sub3A_27 : vector<10000x128xf32>
    %add3A = arith.constant 9.99999974E-6 : f32
    %add3A_30 = vector.broadcast %add3A : f32 to vector<1x128xf32>
    %add3A_31 = arith.addf %select_n3A, %add3A_30 : vector<1x128xf32>
    %sqrt3A = math.sqrt %add3A_31 : vector<1x128xf32>
    %div3A_32 = vector.broadcast %sqrt3A : vector<1x128xf32> to vector<10000x128xf32>
    %div3A_33 = arith.divf %mul3A_29, %div3A_32 : vector<10000x128xf32>
    %broadcast_in_dim3A_34 = vector.shape_cast %get3A_5 : vector<128xf32> to vector<1x128xf32>
    %add3A_35 = vector.broadcast %broadcast_in_dim3A_34 : vector<1x128xf32> to vector<10000x128xf32>
    %add3A_36 = arith.addf %div3A_33, %add3A_35 : vector<10000x128xf32>
    %get3A_37 = arith.constant 0 : index
    %get3A_38 = arith.constant 0 : index
    %get3A_39 = vector.load %arg4[%get3A_37, %get3A_38] : memref<128x128xf32, #tpu.memory_space<vmem>>, vector<128x128xf32>
    %dot_general3A = arith.constant dense<0.000000e+00> : vector<10000x128xf32>
    %dot_general3A_40 = tpu.matmul %add3A_36, %get3A_39, %dot_general3A {dimension_numbers = #tpu.dot_dimension_numbers<[1], [0], [0], [1], [0, 0, 1, 1], [], []>, transpose_lhs_hint = false} : vector<10000x128xf32>, vector<128x128xf32>, vector<10000x128xf32> -> vector<10000x128xf32>
    %max3A = arith.constant 0.000000e+00 : f32
    %max3A_41 = vector.broadcast %max3A : f32 to vector<10000x128xf32>
    %max3A_42 = arith.maximumf %dot_general3A_40, %max3A_41 : vector<10000x128xf32>
    %get3A_43 = arith.constant 0 : index
    %get3A_44 = vector.load %arg5[%get3A_43] : memref<128xf32, #tpu.memory_space<vmem>>, vector<128xf32>
    %get3A_45 = arith.constant 0 : index
    %get3A_46 = vector.load %arg6[%get3A_45] : memref<128xf32, #tpu.memory_space<vmem>>, vector<128xf32>
    %reduce_sum3A_47 = arith.constant dense<0.000000e+00> : vector<128xf32>
    %reduce_sum3A_48 = vector.multi_reduction <add>, %max3A_42, %reduce_sum3A_47 [0] : vector<10000x128xf32> to vector<128xf32>
    %broadcast_in_dim3A_49 = vector.shape_cast %reduce_sum3A_48 : vector<128xf32> to vector<1x128xf32>
    %div3A_50 = arith.constant 1.000000e+04 : f32
    %div3A_51 = vector.broadcast %div3A_50 : f32 to vector<1x128xf32>
    %div3A_52 = arith.divf %broadcast_in_dim3A_49, %div3A_51 : vector<1x128xf32>
    %jit3A_53 = arith.constant 0 : i32
    %reduce_sum3A_54 = arith.constant dense<0.000000e+00> : vector<128xf32>
    %reduce_sum3A_55 = vector.multi_reduction <add>, %max3A_42, %reduce_sum3A_54 [0] : vector<10000x128xf32> to vector<128xf32>
    %broadcast_in_dim3A_56 = vector.shape_cast %reduce_sum3A_55 : vector<128xf32> to vector<1x128xf32>
    %div3A_57 = arith.constant 1.000000e+04 : f32
    %div3A_58 = vector.broadcast %div3A_57 : f32 to vector<1x128xf32>
    %div3A_59 = arith.divf %broadcast_in_dim3A_56, %div3A_58 : vector<1x128xf32>
    %sub3A_60 = vector.broadcast %div3A_59 : vector<1x128xf32> to vector<10000x128xf32>
    %sub3A_61 = arith.subf %max3A_42, %sub3A_60 : vector<10000x128xf32>
    %square3A_62 = arith.mulf %sub3A_61, %sub3A_61 : vector<10000x128xf32>
    %convert_element_type3A_63 = arith.sitofp %jit3A_53 : i32 to f32
    %sub3A_64 = arith.constant 1.000000e+04 : f32
    %sub3A_65 = arith.subf %sub3A_64, %convert_element_type3A_63 : f32
    %reduce_sum3A_66 = arith.constant dense<0.000000e+00> : vector<128xf32>
    %reduce_sum3A_67 = vector.multi_reduction <add>, %square3A_62, %reduce_sum3A_66 [0] : vector<10000x128xf32> to vector<128xf32>
    %broadcast_in_dim3A_68 = vector.shape_cast %reduce_sum3A_67 : vector<128xf32> to vector<1x128xf32>
    %div3A_69 = vector.broadcast %sub3A_65 : f32 to vector<1x128xf32>
    %div3A_70 = arith.divf %broadcast_in_dim3A_68, %div3A_69 : vector<1x128xf32>
    %gt3A_71 = arith.constant 0.000000e+00 : f32
    %gt3A_72 = arith.cmpf ogt, %sub3A_65, %gt3A_71 : f32
    %jit3A_73 = arith.constant 0x7FC00000 : f32
    %broadcast_in_dim3A_74 = vector.broadcast %jit3A_73 : f32 to vector<1x128xf32>
    %select_n3A_75 = arith.select %gt3A_72, %div3A_70, %broadcast_in_dim3A_74 : vector<1x128xf32>
    %sub3A_76 = vector.broadcast %div3A_52 : vector<1x128xf32> to vector<10000x128xf32>
    %sub3A_77 = arith.subf %max3A_42, %sub3A_76 : vector<10000x128xf32>
    %broadcast_in_dim3A_78 = vector.shape_cast %get3A_44 : vector<128xf32> to vector<1x128xf32>
    %mul3A_79 = vector.broadcast %broadcast_in_dim3A_78 : vector<1x128xf32> to vector<10000x128xf32>
    %mul3A_80 = arith.mulf %mul3A_79, %sub3A_77 : vector<10000x128xf32>
    %add3A_81 = arith.constant 9.99999974E-6 : f32
    %add3A_82 = vector.broadcast %add3A_81 : f32 to vector<1x128xf32>
    %add3A_83 = arith.addf %select_n3A_75, %add3A_82 : vector<1x128xf32>
    %sqrt3A_84 = math.sqrt %add3A_83 : vector<1x128xf32>
    %div3A_85 = vector.broadcast %sqrt3A_84 : vector<1x128xf32> to vector<10000x128xf32>
    %div3A_86 = arith.divf %mul3A_80, %div3A_85 : vector<10000x128xf32>
    %broadcast_in_dim3A_87 = vector.shape_cast %get3A_46 : vector<128xf32> to vector<1x128xf32>
    %add3A_88 = vector.broadcast %broadcast_in_dim3A_87 : vector<1x128xf32> to vector<10000x128xf32>
    %add3A_89 = arith.addf %div3A_86, %add3A_88 : vector<10000x128xf32>
    %get3A_90 = arith.constant 0 : index
    %get3A_91 = arith.constant 0 : index
    %get3A_92 = vector.load %arg7[%get3A_90, %get3A_91] : memref<128x128xf32, #tpu.memory_space<vmem>>, vector<128x128xf32>
    %dot_general3A_93 = arith.constant dense<0.000000e+00> : vector<10000x128xf32>
    %dot_general3A_94 = tpu.matmul %add3A_89, %get3A_92, %dot_general3A_93 {dimension_numbers = #tpu.dot_dimension_numbers<[1], [0], [0], [1], [0, 0, 1, 1], [], []>, transpose_lhs_hint = false} : vector<10000x128xf32>, vector<128x128xf32>, vector<10000x128xf32> -> vector<10000x128xf32>
    %get3A_95 = arith.constant 0 : index
    %get3A_96 = arith.constant 0 : index
    %get3A_97 = arith.constant 0 : index
    %get3A_98 = vector.load %arg1[%get3A_95, %get3A_96, %get3A_97] : memref<2x10112x16xf32, #tpu.memory_space<vmem>>, vector<1x10000x1xf32>
    %get3A_99 = vector.shape_cast %get3A_98 : vector<1x10000x1xf32> to vector<10000x1xf32>
    %get3A_100 = arith.constant 1 : index
    %get3A_101 = arith.constant 0 : index
    %get3A_102 = arith.constant 0 : index
    %get3A_103 = vector.load %arg1[%get3A_100, %get3A_101, %get3A_102] : memref<2x10112x16xf32, #tpu.memory_space<vmem>>, vector<1x10000x1xf32>
    %get3A_104 = vector.shape_cast %get3A_103 : vector<1x10000x1xf32> to vector<10000x1xf32>
    %add3A_105 = arith.addf %get3A_99, %get3A_104 : vector<10000x1xf32>
    %add3A_106 = arith.constant 1.000000e+00 : f32
    %add3A_107 = vector.broadcast %add3A_106 : f32 to vector<10000x1xf32>
    %add3A_108 = arith.addf %add3A_105, %add3A_107 : vector<10000x1xf32>
    %rsqrt3A = math.rsqrt %add3A_108 : vector<10000x1xf32>
    %mul3A_109 = vector.broadcast %rsqrt3A : vector<10000x1xf32> to vector<10000x128xf32>
    %mul3A_110 = arith.mulf %mul3A_109, %dot_general3A_94 : vector<10000x128xf32>
    %swap3A = arith.constant 0 : index
    %swap3A_111 = arith.constant 0 : index
    %swap3A_112 = vector.load %arg8[%swap3A, %swap3A_111] : memref<10000x128xf32, #tpu.memory_space<vmem>>, vector<10000x128xf32>
    tpu.vector_store %arg8[%swap3A, %swap3A_111], %mul3A_110 {strides = array<i32>} : memref<10000x128xf32, #tpu.memory_space<vmem>>, vector<10000x128xf32>,
    return
  }
}

module attributes {stable_mosaic.version = 14 : i64} {
  func.func @_mid_body(%arg0: memref<2x10112x128xf32, #tpu.memory_space<vmem>>, %arg1: memref<10000x128xf32, #tpu.memory_space<vmem>>, %arg2: memref<2x10112x16xf32, #tpu.memory_space<vmem>>, %arg3: memref<128xf32, #tpu.memory_space<vmem>>, %arg4: memref<128xf32, #tpu.memory_space<vmem>>, %arg5: memref<128xf32, #tpu.memory_space<vmem>>, %arg6: memref<128x128xf32, #tpu.memory_space<vmem>>, %arg7: memref<10000x128xf32, #tpu.memory_space<vmem>>) attributes {dimension_semantics = [], scalar_prefetch = 0 : i64, scratch_operands = 0 : i64, tpu.core_type = #tpu.core_type<tc>} {
    %get3A = arith.constant 0 : index
    %get3A_0 = arith.constant 0 : index
    %get3A_1 = arith.constant 0 : index
    %get3A_2 = vector.load %arg2[%get3A, %get3A_0, %get3A_1] : memref<2x10112x16xf32, #tpu.memory_space<vmem>>, vector<1x10000x1xf32>
    %get3A_3 = vector.shape_cast %get3A_2 : vector<1x10000x1xf32> to vector<10000x1xf32>
    %get3A_4 = arith.constant 1 : index
    %get3A_5 = arith.constant 0 : index
    %get3A_6 = arith.constant 0 : index
    %get3A_7 = vector.load %arg2[%get3A_4, %get3A_5, %get3A_6] : memref<2x10112x16xf32, #tpu.memory_space<vmem>>, vector<1x10000x1xf32>
    %get3A_8 = vector.shape_cast %get3A_7 : vector<1x10000x1xf32> to vector<10000x1xf32>
    %add3A = arith.addf %get3A_3, %get3A_8 : vector<10000x1xf32>
    %add3A_9 = arith.constant 1.000000e+00 : f32
    %add3A_10 = vector.broadcast %add3A_9 : f32 to vector<10000x1xf32>
    %add3A_11 = arith.addf %add3A, %add3A_10 : vector<10000x1xf32>
    %rsqrt3A = math.rsqrt %add3A_11 : vector<10000x1xf32>
    %get3A_12 = arith.constant 0 : index
    %get3A_13 = arith.constant 0 : index
    %get3A_14 = arith.constant 0 : index
    %get3A_15 = vector.load %arg0[%get3A_12, %get3A_13, %get3A_14] : memref<2x10112x128xf32, #tpu.memory_space<vmem>>, vector<1x10000x128xf32>
    %get3A_16 = vector.shape_cast %get3A_15 : vector<1x10000x128xf32> to vector<10000x128xf32>
    %get3A_17 = arith.constant 1 : index
    %get3A_18 = arith.constant 0 : index
    %get3A_19 = arith.constant 0 : index
    %get3A_20 = vector.load %arg0[%get3A_17, %get3A_18, %get3A_19] : memref<2x10112x128xf32, #tpu.memory_space<vmem>>, vector<1x10000x128xf32>
    %get3A_21 = vector.shape_cast %get3A_20 : vector<1x10000x128xf32> to vector<10000x128xf32>
    %add3A_22 = arith.addf %get3A_16, %get3A_21 : vector<10000x128xf32>
    %get3A_23 = arith.constant 0 : index
    %get3A_24 = arith.constant 0 : index
    %get3A_25 = vector.load %arg1[%get3A_23, %get3A_24] : memref<10000x128xf32, #tpu.memory_space<vmem>>, vector<10000x128xf32>
    %add3A_26 = arith.addf %add3A_22, %get3A_25 : vector<10000x128xf32>
    %mul3A = vector.broadcast %rsqrt3A : vector<10000x1xf32> to vector<10000x128xf32>
    %mul3A_27 = arith.mulf %mul3A, %add3A_26 : vector<10000x128xf32>
    %get3A_28 = arith.constant 0 : index
    %get3A_29 = vector.load %arg3[%get3A_28] : memref<128xf32, #tpu.memory_space<vmem>>, vector<128xf32>
    %broadcast_in_dim3A = vector.shape_cast %get3A_29 : vector<128xf32> to vector<1x128xf32>
    %add3A_30 = vector.broadcast %broadcast_in_dim3A : vector<1x128xf32> to vector<10000x128xf32>
    %add3A_31 = arith.addf %mul3A_27, %add3A_30 : vector<10000x128xf32>
    %max3A = arith.constant 0.000000e+00 : f32
    %max3A_32 = vector.broadcast %max3A : f32 to vector<10000x128xf32>
    %max3A_33 = arith.maximumf %add3A_31, %max3A_32 : vector<10000x128xf32>
    %get3A_34 = arith.constant 0 : index
    %get3A_35 = vector.load %arg4[%get3A_34] : memref<128xf32, #tpu.memory_space<vmem>>, vector<128xf32>
    %get3A_36 = arith.constant 0 : index
    %get3A_37 = vector.load %arg5[%get3A_36] : memref<128xf32, #tpu.memory_space<vmem>>, vector<128xf32>
    %reduce_sum3A = arith.constant dense<0.000000e+00> : vector<128xf32>
    %reduce_sum3A_38 = vector.multi_reduction <add>, %max3A_33, %reduce_sum3A [0] : vector<10000x128xf32> to vector<128xf32>
    %broadcast_in_dim3A_39 = vector.shape_cast %reduce_sum3A_38 : vector<128xf32> to vector<1x128xf32>
    %div3A = arith.constant 1.000000e+04 : f32
    %div3A_40 = vector.broadcast %div3A : f32 to vector<1x128xf32>
    %div3A_41 = arith.divf %broadcast_in_dim3A_39, %div3A_40 : vector<1x128xf32>
    %jit3A = arith.constant 0 : i32
    %reduce_sum3A_42 = arith.constant dense<0.000000e+00> : vector<128xf32>
    %reduce_sum3A_43 = vector.multi_reduction <add>, %max3A_33, %reduce_sum3A_42 [0] : vector<10000x128xf32> to vector<128xf32>
    %broadcast_in_dim3A_44 = vector.shape_cast %reduce_sum3A_43 : vector<128xf32> to vector<1x128xf32>
    %div3A_45 = arith.constant 1.000000e+04 : f32
    %div3A_46 = vector.broadcast %div3A_45 : f32 to vector<1x128xf32>
    %div3A_47 = arith.divf %broadcast_in_dim3A_44, %div3A_46 : vector<1x128xf32>
    %sub3A = vector.broadcast %div3A_47 : vector<1x128xf32> to vector<10000x128xf32>
    %sub3A_48 = arith.subf %max3A_33, %sub3A : vector<10000x128xf32>
    %square3A = arith.mulf %sub3A_48, %sub3A_48 : vector<10000x128xf32>
    %convert_element_type3A = arith.sitofp %jit3A : i32 to f32
    %sub3A_49 = arith.constant 1.000000e+04 : f32
    %sub3A_50 = arith.subf %sub3A_49, %convert_element_type3A : f32
    %reduce_sum3A_51 = arith.constant dense<0.000000e+00> : vector<128xf32>
    %reduce_sum3A_52 = vector.multi_reduction <add>, %square3A, %reduce_sum3A_51 [0] : vector<10000x128xf32> to vector<128xf32>
    %broadcast_in_dim3A_53 = vector.shape_cast %reduce_sum3A_52 : vector<128xf32> to vector<1x128xf32>
    %div3A_54 = vector.broadcast %sub3A_50 : f32 to vector<1x128xf32>
    %div3A_55 = arith.divf %broadcast_in_dim3A_53, %div3A_54 : vector<1x128xf32>
    %gt3A = arith.constant 0.000000e+00 : f32
    %gt3A_56 = arith.cmpf ogt, %sub3A_50, %gt3A : f32
    %jit3A_57 = arith.constant 0x7FC00000 : f32
    %broadcast_in_dim3A_58 = vector.broadcast %jit3A_57 : f32 to vector<1x128xf32>
    %select_n3A = arith.select %gt3A_56, %div3A_55, %broadcast_in_dim3A_58 : vector<1x128xf32>
    %sub3A_59 = vector.broadcast %div3A_41 : vector<1x128xf32> to vector<10000x128xf32>
    %sub3A_60 = arith.subf %max3A_33, %sub3A_59 : vector<10000x128xf32>
    %broadcast_in_dim3A_61 = vector.shape_cast %get3A_35 : vector<128xf32> to vector<1x128xf32>
    %mul3A_62 = vector.broadcast %broadcast_in_dim3A_61 : vector<1x128xf32> to vector<10000x128xf32>
    %mul3A_63 = arith.mulf %mul3A_62, %sub3A_60 : vector<10000x128xf32>
    %add3A_64 = arith.constant 9.99999974E-6 : f32
    %add3A_65 = vector.broadcast %add3A_64 : f32 to vector<1x128xf32>
    %add3A_66 = arith.addf %select_n3A, %add3A_65 : vector<1x128xf32>
    %sqrt3A = math.sqrt %add3A_66 : vector<1x128xf32>
    %div3A_67 = vector.broadcast %sqrt3A : vector<1x128xf32> to vector<10000x128xf32>
    %div3A_68 = arith.divf %mul3A_63, %div3A_67 : vector<10000x128xf32>
    %broadcast_in_dim3A_69 = vector.shape_cast %get3A_37 : vector<128xf32> to vector<1x128xf32>
    %add3A_70 = vector.broadcast %broadcast_in_dim3A_69 : vector<1x128xf32> to vector<10000x128xf32>
    %add3A_71 = arith.addf %div3A_68, %add3A_70 : vector<10000x128xf32>
    %get3A_72 = arith.constant 0 : index
    %get3A_73 = arith.constant 0 : index
    %get3A_74 = vector.load %arg6[%get3A_72, %get3A_73] : memref<128x128xf32, #tpu.memory_space<vmem>>, vector<128x128xf32>
    %dot_general3A = arith.constant dense<0.000000e+00> : vector<10000x128xf32>
    %dot_general3A_75 = tpu.matmul %add3A_71, %get3A_74, %dot_general3A {dimension_numbers = #tpu.dot_dimension_numbers<[1], [0], [0], [1], [0, 0, 1, 1], [], []>, transpose_lhs_hint = false} : vector<10000x128xf32>, vector<128x128xf32>, vector<10000x128xf32> -> vector<10000x128xf32>
    %mul3A_76 = vector.broadcast %rsqrt3A : vector<10000x1xf32> to vector<10000x128xf32>
    %mul3A_77 = arith.mulf %mul3A_76, %dot_general3A_75 : vector<10000x128xf32>
    %swap3A = arith.constant 0 : index
    %swap3A_78 = arith.constant 0 : index
    %swap3A_79 = vector.load %arg7[%swap3A, %swap3A_78] : memref<10000x128xf32, #tpu.memory_space<vmem>>, vector<10000x128xf32>
    tpu.vector_store %arg7[%swap3A, %swap3A_78], %mul3A_77 {strides = array<i32>} : memref<10000x128xf32, #tpu.memory_space<vmem>>, vector<10000x128xf32>,
    return
  }
}

module attributes {stable_mosaic.version = 14 : i64} {
  func.func @_final_body(%arg0: memref<2x10112x128xf32, #tpu.memory_space<vmem>>, %arg1: memref<10000x128xf32, #tpu.memory_space<vmem>>, %arg2: memref<2x10112x16xf32, #tpu.memory_space<vmem>>, %arg3: memref<128xf32, #tpu.memory_space<vmem>>, %arg4: memref<64x10000xf32, #tpu.memory_space<vmem>>, %arg5: memref<128xf32, #tpu.memory_space<vmem>>, %arg6: memref<128xf32, #tpu.memory_space<vmem>>, %arg7: memref<128x128xf32, #tpu.memory_space<vmem>>, %arg8: memref<128xf32, #tpu.memory_space<vmem>>, %arg9: memref<128xf32, #tpu.memory_space<vmem>>, %arg10: memref<128xf32, #tpu.memory_space<vmem>>, %arg11: memref<128x10xf32, #tpu.memory_space<vmem>>, %arg12: memref<10xf32, #tpu.memory_space<vmem>>, %arg13: memref<64x10xf32, #tpu.memory_space<vmem>>) attributes {dimension_semantics = [], scalar_prefetch = 0 : i64, scratch_operands = 0 : i64, tpu.core_type = #tpu.core_type<tc>} {
    %get3A = arith.constant 0 : index
    %get3A_0 = arith.constant 0 : index
    %get3A_1 = arith.constant 0 : index
    %get3A_2 = vector.load %arg2[%get3A, %get3A_0, %get3A_1] : memref<2x10112x16xf32, #tpu.memory_space<vmem>>, vector<1x10000x1xf32>
    %get3A_3 = vector.shape_cast %get3A_2 : vector<1x10000x1xf32> to vector<10000x1xf32>
    %get3A_4 = arith.constant 1 : index
    %get3A_5 = arith.constant 0 : index
    %get3A_6 = arith.constant 0 : index
    %get3A_7 = vector.load %arg2[%get3A_4, %get3A_5, %get3A_6] : memref<2x10112x16xf32, #tpu.memory_space<vmem>>, vector<1x10000x1xf32>
    %get3A_8 = vector.shape_cast %get3A_7 : vector<1x10000x1xf32> to vector<10000x1xf32>
    %add3A = arith.addf %get3A_3, %get3A_8 : vector<10000x1xf32>
    %add3A_9 = arith.constant 1.000000e+00 : f32
    %add3A_10 = vector.broadcast %add3A_9 : f32 to vector<10000x1xf32>
    %add3A_11 = arith.addf %add3A, %add3A_10 : vector<10000x1xf32>
    %rsqrt3A = math.rsqrt %add3A_11 : vector<10000x1xf32>
    %get3A_12 = arith.constant 0 : index
    %get3A_13 = arith.constant 0 : index
    %get3A_14 = arith.constant 0 : index
    %get3A_15 = vector.load %arg0[%get3A_12, %get3A_13, %get3A_14] : memref<2x10112x128xf32, #tpu.memory_space<vmem>>, vector<1x10000x128xf32>
    %get3A_16 = vector.shape_cast %get3A_15 : vector<1x10000x128xf32> to vector<10000x128xf32>
    %get3A_17 = arith.constant 1 : index
    %get3A_18 = arith.constant 0 : index
    %get3A_19 = arith.constant 0 : index
    %get3A_20 = vector.load %arg0[%get3A_17, %get3A_18, %get3A_19] : memref<2x10112x128xf32, #tpu.memory_space<vmem>>, vector<1x10000x128xf32>
    %get3A_21 = vector.shape_cast %get3A_20 : vector<1x10000x128xf32> to vector<10000x128xf32>
    %add3A_22 = arith.addf %get3A_16, %get3A_21 : vector<10000x128xf32>
    %get3A_23 = arith.constant 0 : index
    %get3A_24 = arith.constant 0 : index
    %get3A_25 = vector.load %arg1[%get3A_23, %get3A_24] : memref<10000x128xf32, #tpu.memory_space<vmem>>, vector<10000x128xf32>
    %add3A_26 = arith.addf %add3A_22, %get3A_25 : vector<10000x128xf32>
    %mul3A = vector.broadcast %rsqrt3A : vector<10000x1xf32> to vector<10000x128xf32>
    %mul3A_27 = arith.mulf %mul3A, %add3A_26 : vector<10000x128xf32>
    %get3A_28 = arith.constant 0 : index
    %get3A_29 = vector.load %arg3[%get3A_28] : memref<128xf32, #tpu.memory_space<vmem>>, vector<128xf32>
    %broadcast_in_dim3A = vector.shape_cast %get3A_29 : vector<128xf32> to vector<1x128xf32>
    %add3A_30 = vector.broadcast %broadcast_in_dim3A : vector<1x128xf32> to vector<10000x128xf32>
    %add3A_31 = arith.addf %mul3A_27, %add3A_30 : vector<10000x128xf32>
    %max3A = arith.constant 0.000000e+00 : f32
    %max3A_32 = vector.broadcast %max3A : f32 to vector<10000x128xf32>
    %max3A_33 = arith.maximumf %add3A_31, %max3A_32 : vector<10000x128xf32>
    %get3A_34 = arith.constant 0 : index
    %get3A_35 = arith.constant 0 : index
    %get3A_36 = vector.load %arg4[%get3A_34, %get3A_35] : memref<64x10000xf32, #tpu.memory_space<vmem>>, vector<64x10000xf32>
    %dot_general3A = arith.constant dense<0.000000e+00> : vector<64x128xf32>
    %dot_general3A_37 = tpu.matmul %get3A_36, %max3A_33, %dot_general3A {dimension_numbers = #tpu.dot_dimension_numbers<[1], [0], [0], [1], [0, 0, 1, 1], [], []>, transpose_lhs_hint = false} : vector<64x10000xf32>, vector<10000x128xf32>, vector<64x128xf32> -> vector<64x128xf32>
    %get3A_38 = arith.constant 0 : index
    %get3A_39 = vector.load %arg5[%get3A_38] : memref<128xf32, #tpu.memory_space<vmem>>, vector<128xf32>
    %get3A_40 = arith.constant 0 : index
    %get3A_41 = vector.load %arg6[%get3A_40] : memref<128xf32, #tpu.memory_space<vmem>>, vector<128xf32>
    %reduce_sum3A = arith.constant dense<0.000000e+00> : vector<128xf32>
    %reduce_sum3A_42 = vector.multi_reduction <add>, %dot_general3A_37, %reduce_sum3A [0] : vector<64x128xf32> to vector<128xf32>
    %broadcast_in_dim3A_43 = vector.shape_cast %reduce_sum3A_42 : vector<128xf32> to vector<1x128xf32>
    %div3A = arith.constant 6.400000e+01 : f32
    %div3A_44 = vector.broadcast %div3A : f32 to vector<1x128xf32>
    %div3A_45 = arith.divf %broadcast_in_dim3A_43, %div3A_44 : vector<1x128xf32>
    %jit3A = arith.constant 0 : i32
    %reduce_sum3A_46 = arith.constant dense<0.000000e+00> : vector<128xf32>
    %reduce_sum3A_47 = vector.multi_reduction <add>, %dot_general3A_37, %reduce_sum3A_46 [0] : vector<64x128xf32> to vector<128xf32>
    %broadcast_in_dim3A_48 = vector.shape_cast %reduce_sum3A_47 : vector<128xf32> to vector<1x128xf32>
    %div3A_49 = arith.constant 6.400000e+01 : f32
    %div3A_50 = vector.broadcast %div3A_49 : f32 to vector<1x128xf32>
    %div3A_51 = arith.divf %broadcast_in_dim3A_48, %div3A_50 : vector<1x128xf32>
    %sub3A = vector.broadcast %div3A_51 : vector<1x128xf32> to vector<64x128xf32>
    %sub3A_52 = arith.subf %dot_general3A_37, %sub3A : vector<64x128xf32>
    %square3A = arith.mulf %sub3A_52, %sub3A_52 : vector<64x128xf32>
    %convert_element_type3A = arith.sitofp %jit3A : i32 to f32
    %sub3A_53 = arith.constant 6.400000e+01 : f32
    %sub3A_54 = arith.subf %sub3A_53, %convert_element_type3A : f32
    %reduce_sum3A_55 = arith.constant dense<0.000000e+00> : vector<128xf32>
    %reduce_sum3A_56 = vector.multi_reduction <add>, %square3A, %reduce_sum3A_55 [0] : vector<64x128xf32> to vector<128xf32>
    %broadcast_in_dim3A_57 = vector.shape_cast %reduce_sum3A_56 : vector<128xf32> to vector<1x128xf32>
    %div3A_58 = vector.broadcast %sub3A_54 : f32 to vector<1x128xf32>
    %div3A_59 = arith.divf %broadcast_in_dim3A_57, %div3A_58 : vector<1x128xf32>
    %gt3A = arith.constant 0.000000e+00 : f32
    %gt3A_60 = arith.cmpf ogt, %sub3A_54, %gt3A : f32
    %jit3A_61 = arith.constant 0x7FC00000 : f32
    %broadcast_in_dim3A_62 = vector.broadcast %jit3A_61 : f32 to vector<1x128xf32>
    %select_n3A = arith.select %gt3A_60, %div3A_59, %broadcast_in_dim3A_62 : vector<1x128xf32>
    %sub3A_63 = vector.broadcast %div3A_45 : vector<1x128xf32> to vector<64x128xf32>
    %sub3A_64 = arith.subf %dot_general3A_37, %sub3A_63 : vector<64x128xf32>
    %broadcast_in_dim3A_65 = vector.shape_cast %get3A_39 : vector<128xf32> to vector<1x128xf32>
    %mul3A_66 = vector.broadcast %broadcast_in_dim3A_65 : vector<1x128xf32> to vector<64x128xf32>
    %mul3A_67 = arith.mulf %mul3A_66, %sub3A_64 : vector<64x128xf32>
    %add3A_68 = arith.constant 9.99999974E-6 : f32
    %add3A_69 = vector.broadcast %add3A_68 : f32 to vector<1x128xf32>
    %add3A_70 = arith.addf %select_n3A, %add3A_69 : vector<1x128xf32>
    %sqrt3A = math.sqrt %add3A_70 : vector<1x128xf32>
    %div3A_71 = vector.broadcast %sqrt3A : vector<1x128xf32> to vector<64x128xf32>
    %div3A_72 = arith.divf %mul3A_67, %div3A_71 : vector<64x128xf32>
    %broadcast_in_dim3A_73 = vector.shape_cast %get3A_41 : vector<128xf32> to vector<1x128xf32>
    %add3A_74 = vector.broadcast %broadcast_in_dim3A_73 : vector<1x128xf32> to vector<64x128xf32>
    %add3A_75 = arith.addf %div3A_72, %add3A_74 : vector<64x128xf32>
    %get3A_76 = arith.constant 0 : index
    %get3A_77 = arith.constant 0 : index
    %get3A_78 = vector.load %arg7[%get3A_76, %get3A_77] : memref<128x128xf32, #tpu.memory_space<vmem>>, vector<128x128xf32>
    %dot_general3A_79 = arith.constant dense<0.000000e+00> : vector<64x128xf32>
    %dot_general3A_80 = tpu.matmul %add3A_75, %get3A_78, %dot_general3A_79 {dimension_numbers = #tpu.dot_dimension_numbers<[1], [0], [0], [1], [0, 0, 1, 1], [], []>, transpose_lhs_hint = false} : vector<64x128xf32>, vector<128x128xf32>, vector<64x128xf32> -> vector<64x128xf32>
    %get3A_81 = arith.constant 0 : index
    %get3A_82 = vector.load %arg8[%get3A_81] : memref<128xf32, #tpu.memory_space<vmem>>, vector<128xf32>
    %broadcast_in_dim3A_83 = vector.shape_cast %get3A_82 : vector<128xf32> to vector<1x128xf32>
    %add3A_84 = vector.broadcast %broadcast_in_dim3A_83 : vector<1x128xf32> to vector<64x128xf32>
    %add3A_85 = arith.addf %dot_general3A_80, %add3A_84 : vector<64x128xf32>
    %max3A_86 = arith.constant 0.000000e+00 : f32
    %max3A_87 = vector.broadcast %max3A_86 : f32 to vector<64x128xf32>
    %max3A_88 = arith.maximumf %add3A_85, %max3A_87 : vector<64x128xf32>
    %get3A_89 = arith.constant 0 : index
    %get3A_90 = vector.load %arg9[%get3A_89] : memref<128xf32, #tpu.memory_space<vmem>>, vector<128xf32>
    %get3A_91 = arith.constant 0 : index
    %get3A_92 = vector.load %arg10[%get3A_91] : memref<128xf32, #tpu.memory_space<vmem>>, vector<128xf32>
    %reduce_sum3A_93 = arith.constant dense<0.000000e+00> : vector<128xf32>
    %reduce_sum3A_94 = vector.multi_reduction <add>, %max3A_88, %reduce_sum3A_93 [0] : vector<64x128xf32> to vector<128xf32>
    %broadcast_in_dim3A_95 = vector.shape_cast %reduce_sum3A_94 : vector<128xf32> to vector<1x128xf32>
    %div3A_96 = arith.constant 6.400000e+01 : f32
    %div3A_97 = vector.broadcast %div3A_96 : f32 to vector<1x128xf32>
    %div3A_98 = arith.divf %broadcast_in_dim3A_95, %div3A_97 : vector<1x128xf32>
    %jit3A_99 = arith.constant 0 : i32
    %reduce_sum3A_100 = arith.constant dense<0.000000e+00> : vector<128xf32>
    %reduce_sum3A_101 = vector.multi_reduction <add>, %max3A_88, %reduce_sum3A_100 [0] : vector<64x128xf32> to vector<128xf32>
    %broadcast_in_dim3A_102 = vector.shape_cast %reduce_sum3A_101 : vector<128xf32> to vector<1x128xf32>
    %div3A_103 = arith.constant 6.400000e+01 : f32
    %div3A_104 = vector.broadcast %div3A_103 : f32 to vector<1x128xf32>
    %div3A_105 = arith.divf %broadcast_in_dim3A_102, %div3A_104 : vector<1x128xf32>
    %sub3A_106 = vector.broadcast %div3A_105 : vector<1x128xf32> to vector<64x128xf32>
    %sub3A_107 = arith.subf %max3A_88, %sub3A_106 : vector<64x128xf32>
    %square3A_108 = arith.mulf %sub3A_107, %sub3A_107 : vector<64x128xf32>
    %convert_element_type3A_109 = arith.sitofp %jit3A_99 : i32 to f32
    %sub3A_110 = arith.constant 6.400000e+01 : f32
    %sub3A_111 = arith.subf %sub3A_110, %convert_element_type3A_109 : f32
    %reduce_sum3A_112 = arith.constant dense<0.000000e+00> : vector<128xf32>
    %reduce_sum3A_113 = vector.multi_reduction <add>, %square3A_108, %reduce_sum3A_112 [0] : vector<64x128xf32> to vector<128xf32>
    %broadcast_in_dim3A_114 = vector.shape_cast %reduce_sum3A_113 : vector<128xf32> to vector<1x128xf32>
    %div3A_115 = vector.broadcast %sub3A_111 : f32 to vector<1x128xf32>
    %div3A_116 = arith.divf %broadcast_in_dim3A_114, %div3A_115 : vector<1x128xf32>
    %gt3A_117 = arith.constant 0.000000e+00 : f32
    %gt3A_118 = arith.cmpf ogt, %sub3A_111, %gt3A_117 : f32
    %jit3A_119 = arith.constant 0x7FC00000 : f32
    %broadcast_in_dim3A_120 = vector.broadcast %jit3A_119 : f32 to vector<1x128xf32>
    %select_n3A_121 = arith.select %gt3A_118, %div3A_116, %broadcast_in_dim3A_120 : vector<1x128xf32>
    %sub3A_122 = vector.broadcast %div3A_98 : vector<1x128xf32> to vector<64x128xf32>
    %sub3A_123 = arith.subf %max3A_88, %sub3A_122 : vector<64x128xf32>
    %broadcast_in_dim3A_124 = vector.shape_cast %get3A_90 : vector<128xf32> to vector<1x128xf32>
    %mul3A_125 = vector.broadcast %broadcast_in_dim3A_124 : vector<1x128xf32> to vector<64x128xf32>
    %mul3A_126 = arith.mulf %mul3A_125, %sub3A_123 : vector<64x128xf32>
    %add3A_127 = arith.constant 9.99999974E-6 : f32
    %add3A_128 = vector.broadcast %add3A_127 : f32 to vector<1x128xf32>
    %add3A_129 = arith.addf %select_n3A_121, %add3A_128 : vector<1x128xf32>
    %sqrt3A_130 = math.sqrt %add3A_129 : vector<1x128xf32>
    %div3A_131 = vector.broadcast %sqrt3A_130 : vector<1x128xf32> to vector<64x128xf32>
    %div3A_132 = arith.divf %mul3A_126, %div3A_131 : vector<64x128xf32>
    %broadcast_in_dim3A_133 = vector.shape_cast %get3A_92 : vector<128xf32> to vector<1x128xf32>
    %add3A_134 = vector.broadcast %broadcast_in_dim3A_133 : vector<1x128xf32> to vector<64x128xf32>
    %add3A_135 = arith.addf %div3A_132, %add3A_134 : vector<64x128xf32>
    %get3A_136 = arith.constant 0 : index
    %get3A_137 = arith.constant 0 : index
    %get3A_138 = vector.load %arg11[%get3A_136, %get3A_137] : memref<128x10xf32, #tpu.memory_space<vmem>>, vector<128x10xf32>
    %dot_general3A_139 = arith.constant dense<0.000000e+00> : vector<64x10xf32>
    %dot_general3A_140 = tpu.matmul %add3A_135, %get3A_138, %dot_general3A_139 {dimension_numbers = #tpu.dot_dimension_numbers<[1], [0], [0], [1], [0, 0, 1, 1], [], []>, transpose_lhs_hint = false} : vector<64x128xf32>, vector<128x10xf32>, vector<64x10xf32> -> vector<64x10xf32>
    %get3A_141 = arith.constant 0 : index
    %get3A_142 = vector.load %arg12[%get3A_141] : memref<10xf32, #tpu.memory_space<vmem>>, vector<10xf32>
    %broadcast_in_dim3A_143 = vector.shape_cast %get3A_142 : vector<10xf32> to vector<1x10xf32>
    %add3A_144 = vector.broadcast %broadcast_in_dim3A_143 : vector<1x10xf32> to vector<64x10xf32>
    %add3A_145 = arith.addf %dot_general3A_140, %add3A_144 : vector<64x10xf32>
    %reduce_max3A = arith.constant dense<0xFF800000> : vector<64xf32>
    %reduce_max3A_146 = vector.multi_reduction <maximumf>, %add3A_145, %reduce_max3A [1] : vector<64x10xf32> to vector<64xf32>
    %broadcast_in_dim3A_147 = vector.shape_cast %reduce_max3A_146 : vector<64xf32> to vector<64x1xf32>
    %sub3A_148 = vector.broadcast %broadcast_in_dim3A_147 : vector<64x1xf32> to vector<64x10xf32>
    %sub3A_149 = arith.subf %add3A_145, %sub3A_148 : vector<64x10xf32>
    %exp3A = math.exp %sub3A_149 : vector<64x10xf32>
    %reduce_sum3A_150 = arith.constant dense<0.000000e+00> : vector<64xf32>
    %reduce_sum3A_151 = vector.multi_reduction <add>, %exp3A, %reduce_sum3A_150 [1] : vector<64x10xf32> to vector<64xf32>
    %broadcast_in_dim3A_152 = vector.shape_cast %reduce_sum3A_151 : vector<64xf32> to vector<64x1xf32>
    %log3A = math.log %broadcast_in_dim3A_152 : vector<64x1xf32>
    %add3A_153 = arith.addf %broadcast_in_dim3A_147, %log3A : vector<64x1xf32>
    %sub3A_154 = vector.broadcast %add3A_153 : vector<64x1xf32> to vector<64x10xf32>
    %sub3A_155 = arith.subf %add3A_145, %sub3A_154 : vector<64x10xf32>
    %swap3A = arith.constant 0 : index
    %swap3A_156 = arith.constant 0 : index
    %swap3A_157 = vector.load %arg13[%swap3A, %swap3A_156] : memref<64x10xf32, #tpu.memory_space<vmem>>, vector<64x10xf32>
    tpu.vector_store %arg13[%swap3A, %swap3A_156], %sub3A_155 {strides = array<i32>} : memref<64x10xf32, #tpu.memory_space<vmem>>, vector<64x10xf32>,
    return
  }
}

</mosaic_0001>

<sc_bundles>
// kernel: kernel.10.cloned.1.call-start
scs
__scs_entry_jumppad:
0x0: {  	(pc) =	sbr.rel $0x88, $3  }
0x1: {  	(tag) =	ssettag $0x0;
	lr =	simm.s32 $0x1  }
0x2: {  	[smem:$0x3F87] =	sst lr;
	_ =	strace $0xD0000000  }
0x3: {  	_ = 	snop  }
0x4: {  	_ = 	snop  }
0x5: {  	_ = 	snop  }
0x6: {  	_ = 	snop  }
0x7: {  	_ = 	snop  }
__scs_overlays_trampoline_lowered:
0x8: {  	[smem:$0x3F96] =	sst s0  }
0x9: {  	[smem:$0x3F97] =	sst s1  }
0xa: {  	[smem:$0x3F98] =	sst s2  }
0xb: {  	[smem:$0x3F99] =	sst s3  }
0xc: {  	[smem:$0x3F9A] =	sst s4  }
0xd: {  	[smem:$0x3F9B] =	sst s5  }
0xe: {  	[smem:$0x3F9C] =	sst s6  }
0xf: {  	[smem:$0x3F9D] =	sst s7  }
0x10: {  	[smem:$0x3F9E] =	sst s8  }
0x11: {  	[smem:$0x3F9F] =	sst s9;
	s0 =	simm.s32 @!p0 $0x0  }
0x12: {  	s1 =	sld [smem:$0x3F85];
	s0 =	simm.s32 @p0 $0x1  }
0x13: {  	[smem:$0x3FA0] =	sst s0;
	s0 =	simm.s32 @!p1 $0x0  }
0x14: {  	s2 =	sld [smem:$0x3F84];
	s0 =	simm.s32 @p1 $0x1  }
0x15: {  	[smem:$0x3FA1] =	sst s0;
	s0 =	simm.s32 @!p2 $0x0  }
0x16: {  	s3 =	sld [smem:$0x3FDB];
	s0 =	simm.s32 @p2 $0x1  }
0x17: {  	s4 =	simm.s32 $0x1BF5;
	[smem:$0x3FA3] =	sst s0  }
0x18: {  	s0 =	sld [smem:$0x3F86];
	_ =	swait.ge [sflag:s4], $0x0  }
0x19: {  	s7 =	sld [smem:$0x3F87]  }
0x1a: {  	s8 =	sadd.s32 $0xFFFFE003, lr  }
0x1b: {  	s9 =	sadd.s32 $0xFFFFFEF7, lr;
	s5 =	simm.s32 $0xFFFFFFFF;
	p2 =	slt.u32 s8, $0xFFFFF086  }
0x1c: {  	p1 =	slt.u32 s9, $0xF7A;
	s5 =	simm.s32 @!p2 $0x0  }
0x1d: {  	s5 =	simm.s32 @p1 $0x1;
	p0 =	seq.s32 s7, s2  }
0x1e: {  	s7 =	smul.u32 @!p0 $0xF7A, s2;
	p2 =	seq.s32 @!p0 s5, $0x0  }
0x1f: {  	s9 =	smul.u32 $0xF7A, s1;
	s8 =	simm.s32 @!p0 $0x1BF5;
	p2 =	por !p2, p0  }
0x20: {  	[sflag:s8] =	ssyncset.s32 @!p0 $0xFFFFF086;
	s6 =	sadd.s32 @!p0 s3, s7;
	s7 =	simm.s32 @!p0 $0x108  }
0x21: {  	s3 =	sadd.s32 s3, s9;
	s6 =	sadd.s32 @!p0 $0x88, s6;
	s7 =	simm.s32 @p2 $0x1082  }
0x22: {  	[simem:s7], [sflag:s8] =	dma.local @!p0 [hbm:s6], $0xF7A  }
0x23: {  	s9 =	sor.u32 $0xD0000000, s2;
	s6 =	simm.s32 $0x108;
	_ =	swait.ge @!p0 [sflag:s8], $0x0  }
0x24: {  	s3 =	sadd.s32 $0x88, s3;
	s6 =	simm.s32 @!p1 $0x1082;
	[sflag:s4] =	ssyncset.s32 $0xFFFFF086  }
0x25: {  	[simem:s6], [sflag:s4] =	dma.local [hbm:s3], $0xF7A  }
0x26: {  	[smem:$0x3F87] =	sst s1;
	(tag) =	ssettag s2;
	_ =	strace s9  }
0x27: {  	s1 =	sld [smem:$0x3F97]  }
0x28: {  	s2 =	sld [smem:$0x3F98]  }
0x29: {  	s4 =	sld [smem:$0x3F9A]  }
0x2a: {  	p0 =	seq.s32 s5, $0x0;
	s5 =	sld [smem:$0x3F9B]  }
0x2b: {  	s6 =	sld [smem:$0x3F9C]  }
0x2c: {  	s7 =	sld [smem:$0x3F9D]  }
0x2d: {  	s3 =	simm.s32 $0x108;
	s8 =	sld [smem:$0x3F9E]  }
0x2e: {  	s3 =	simm.s32 @!p0 $0x1082;
	s9 =	sld [smem:$0x3F9F]  }
0x2f: {  	lr =	sadd.s32 s0, s3;
	s0 =	sld [smem:$0x3F96]  }
0x30: {  	s3 =	sld [smem:$0x3F99]  }
0x31: {  	[smem:$0x3FA2] =	sst s10  }
0x32: {  	s10 =	sld [smem:$0x3FA0];
	_ =	sdelay $0x3  }
0x33: {  	p0 =	seq.s32 s10, $0x1;
	s10 =	sld [smem:$0x3FA2];
	_ =	sdelay $0x3  }
0x34: {  	[smem:$0x3FA2] =	sst s10  }
0x35: {  	s10 =	sld [smem:$0x3FA1];
	_ =	sdelay $0x3  }
0x36: {  	p1 =	seq.s32 s10, $0x1;
	s10 =	sld [smem:$0x3FA2];
	_ =	sdelay $0x3  }
0x37: {  	[smem:$0x3FA2] =	sst s10  }
0x38: {  	s10 =	sld [smem:$0x3FA3]  }
0x39: {  	_ = 	snop;
	(pc) =	sbr.ind lr, $3  }
0x3a: {  	_ = 	snop  }
0x3b: {  	_ = 	snop  }
0x3c: {  	p2 =	seq.s32 s10, $0x1;
	s10 =	sld [smem:$0x3FA2]  }
0x3d: {  	_ =	shalt  }
0x3e: {  	_ =	shalt  }
0x3f: {  	_ =	shalt  }
0x40: {  	_ =	shalt  }
0x41: {  	_ =	shalt  }
0x42: {  	_ =	shalt  }
0x43: {  	_ =	shalt  }
0x44: {  	_ =	shalt  }
0x45: {  	_ =	shalt  }
0x46: {  	_ =	shalt  }
0x47: {  	_ =	shalt  }
0x48: {  	_ =	shalt  }
0x49: {  	_ =	shalt  }
0x4a: {  	_ =	shalt  }
0x4b: {  	_ =	shalt  }
0x4c: {  	_ =	shalt  }
0x4d: {  	_ =	shalt  }
0x4e: {  	_ =	shalt  }
0x4f: {  	_ =	shalt  }
0x50: {  	_ =	shalt  }
0x51: {  	_ =	shalt  }
0x52: {  	_ =	shalt  }
0x53: {  	_ =	shalt  }
0x54: {  	_ =	shalt  }
0x55: {  	_ =	shalt  }
0x56: {  	_ =	shalt  }
0x57: {  	_ =	shalt  }
0x58: {  	_ =	shalt  }
0x59: {  	_ =	shalt  }
0x5a: {  	_ =	shalt  }
0x5b: {  	_ =	shalt  }
0x5c: {  	_ =	shalt  }
0x5d: {  	_ =	shalt  }
0x5e: {  	_ =	shalt  }
0x5f: {  	_ =	shalt  }
0x60: {  	_ =	shalt  }
0x61: {  	_ =	shalt  }
0x62: {  	_ =	shalt  }
0x63: {  	_ =	shalt  }
0x64: {  	_ =	shalt  }
0x65: {  	_ =	shalt  }
0x66: {  	_ =	shalt  }
0x67: {  	_ =	shalt  }
0x68: {  	_ =	shalt  }
0x69: {  	_ =	shalt  }
0x6a: {  	_ =	shalt  }
0x6b: {  	_ =	shalt  }
0x6c: {  	_ =	shalt  }
0x6d: {  	_ =	shalt  }
0x6e: {  	_ =	shalt  }
0x6f: {  	_ =	shalt  }
0x70: {  	_ =	shalt  }
0x71: {  	_ =	shalt  }
0x72: {  	_ =	shalt  }
0x73: {  	_ =	shalt  }
0x74: {  	_ =	shalt  }
0x75: {  	_ =	shalt  }
0x76: {  	_ =	shalt  }
0x77: {  	_ =	shalt  }
0x78: {  	_ =	shalt  }
0x79: {  	_ =	shalt  }
0x7a: {  	_ =	shalt  }
0x7b: {  	_ =	shalt  }
0x7c: {  	_ =	shalt  }
0x7d: {  	_ =	shalt  }
0x7e: {  	_ =	shalt  }
0x7f: {  	_ =	shalt  }
0x80: {  	_ =	shalt  }
0x81: {  	_ =	shalt  }
0x82: {  	_ =	shalt  }
0x83: {  	_ =	shalt  }
0x84: {  	_ =	shalt  }
0x85: {  	_ =	shalt  }
0x86: {  	_ =	shalt  }
0x87: {  	_ =	shalt  }
.Lfunc_end0:
.L_simem_size_0:
called_computation_lowered:
.L_overlay_start_0:
0x88: {  	s2 =	sld [smem:$0x3FD9]  }
0x89: {  	s3 =	sld [smem:$0x3FFE];
	_ =	sdelay $0x1  }
0x8a: {  	s1 =	srdreg.scid  }
0x8b: {  	s0 =	sand.u32 $0x1, s1  }
0x8c: {  	s16 =	sshll.u32 s0, $0xA;
	s2 =	sadd.s32 s3, s2  }
0x8d: {  	s2 =	sadd.s32 s2, s16  }
0x8e: {  	[smem:$0x3FAE] =	sst s2  }
0x8f: {  	_ = 	snop  }
0x90: {  	(tm) =	ssettm $0x1  }
0x91: {  	s17 =	sld [smem:$0x3FFB];
	_ =	sdelay $0x3  }
0x92: {  	_ =	strace s17  }
0x93: {  	s2 =	sld [smem:$0x3FFC];
	_ =	sdelay $0x3  }
0x94: {  	_ =	strace s2  }
0x95: {  	s2 =	sld [smem:$0x3FFD];
	_ =	sdelay $0x3  }
0x96: {  	_ =	strace s2  }
0x97: {  	_ =	strace $0x8FFFFFFF  }
0x98: {  	s18 =	sld [smem:$0x3FDB];
	_ =	sdelay $0x1  }
0x99: {  	s19 =	simm.s32 $_scs_section_size  }
0x9a: {  	s4 =	simm.s32 $_size__tile_overlayer_lowered;
	s5 =	simm.s32 $_tile_overlayer_lowered  }
0x9b: {  	s22 =	simm.s32 $0x1BFF;
	s21 =	sshll.u32 s5, $0x1;
	s2 =	sadd.s32 s19, s18  }
0x9c: {  	s6 =	simm.s32 $0x0;
	s20 =	sshll.u32 s4, $0x1;
	s4 =	sadd.s32 s21, s2  }
0x9d: {  	[timem:s6], [sflag:s22] =	dma.local [hbm:s4], s20  }
0x9e: {  	_ =	swait.ge [sflag:s22], s20  }
0x9f: {  	s3 =	ssub.s32 $0x0, s20;
	[sflag:s22] =	ssyncset.done $0x0  }
0xa0: {  	[sflag:s22] =	ssyncadd.s32 s3;
	_ =	sdelay $0x1  }
0xa1: {  	s23 =	simm.s32 $0x1B8B  }
0xa2: {  	_ =	swait.ge [sflag:s23], $0x1  }
0xa3: {  	[sflag:s23] =	ssyncset.done $0x0  }
0xa4: {  	s25 =	simm.s32 $0x1B8E;
	s24 =	sld [smem:$0x3FFE];
	[sflag:s23] =	ssyncadd.s32 $0xFFFFFFFF  }
0xa5: {  	s26 =	simm.s32 $execute0_lowered;
	[smem:$0x3FD2] =	sst s25  }
0xa6: {  	s4 =	sshll.u32 s26, $0x1;
	_ =	strace $0x80000046;
	[dreg:$0x1] =	wrdreg $0xFFFFFFFF  }
0xa7: {  	s28 =	simm.s32 $_size_execute0_lowered;
	s2 =	sadd.s32 s2, s4;
	[dreg:$0x0] =	wrdreg $0x0  }
0xa8: {  	s4 =	sshll.u32 s28, $0x1;
	[dreg:$0x2] =	wrdreg s2  }
0xa9: {  	[dreg:$0x3] =	wrdreg s4  }
0xaa: {  	[dreg:$0x4] =	wrdreg $0xC0  }
0xab: {  	_ =	task [dreg:s6], $0x5FFFF  }
0xac: {  	[dreg:$0x1] =	wrdreg $0xFFFFFFFF  }
0xad: {  	[dreg:$0x0] =	wrdreg $0x60  }
0xae: {  	[dreg:$0x2] =	wrdreg s24  }
0xaf: {  	[dreg:$0x3] =	wrdreg $0x68000  }
0xb0: {  	[dreg:$0x4] =	wrdreg $0x9  }
0xb1: {  	_ =	task.clear_ibuf [dreg:s6], $0x5FFFF;
	_ =	strace $0x90000046  }
0xb2: {  	s29 =	simm.s32 $0x9;
	_ =	strace $0x80000048  }
0xb3: {  	_ =	swait.ge [sflag:s29], $0x1  }
0xb4: {  	[sflag:s29] =	ssyncadd.s32 $0xFFFFFFFF  }
0xb5: {  	_ =	strace $0x90000048  }
0xb6: {  	_ =	sfence  }
0xb7: {  	s30 =	sld [smem:$0x0];
	_ =	sdelay $0x2  }
0xb8: {  	s31 =	sshll.u32 s1, $0xD;
	s1 =	sshrl.u32 s1, $0x2  }
0xb9: {  	s3 =	sand.u32 $0x4000, s31;
	s1 =	sadd.s32 s1, s30  }
0xba: {  	s0 =	sor.u32 s3, s0;
	s1 =	sshll.u32 s1, $0x11  }
0xbb: {  	s0 =	sor.u32 s1, s0  }
0xbc: {  	s0 =	sadd.s32 $0x8F2B, s0  }
0xbd: {  	[sflag:s0] =	ssyncadd.remote.s32 $0x1  }
0xbe: {  	_ =	sfence.sel $0xFFFF  }
0xbf: {  	[dreg:$0x0] =	wrdreg $0xFFFFFFFF;
	(pc) =	sbr.abs _section_cstart, $3  }
0xc0: {  	[dreg:$0x1] =	wrdreg $0xFFFFFFFF  }
0xc1: {  	_ =	task.clear_ibuf [dreg:s6], $0x2FFFF;
	_ =	strace $0x9FFFFFFF  }
0xc2: {  	(tm) =	ssettm $0x7FFFFFFF  }
0xc3: {  	_ =	shalt  }
tec
execute0_lowered:
.L_overlay_start_1:
0x0: {  	(tag) =	ssettag $0x1  }
0x1: {  	s1 =	srdreg.scid;
	s5 =	rddreg [dreg:$0x0]  }
0x2: {  	s0 =	stileid.u32;
	s2 =	rddreg [dreg:$0x1];
	s3 =	simm.s32 $0x0  }
0x3: {  	s13 =	simm.s32 $0x80;
	s14 =	simm.s32 $0x0;
	s6 =	sand.u32 $0x1, s1  }
0x4: {  	s28 =	sshll.u32 s0, $0x1;
	s1 =	rddreg [dreg:$0x2];
	s7 =	smul.u32 $0x13C00, s0  }
0x5: {  	[smem:$0x7FF] =	sst s3;
	s29 =	smul.u32 $0x4F000, s0;
	s31 =	sshll.u32 s0, $0x6  }
0x6: {  	s4 =	sor.u32 s6, s28;
	_ =	strace $0x80000047;
	s8 =	smul.u32 $0x13C000, s6  }
0x7: {  	s6 =	ssub.s32 $0x2, s6;
	s4 =	smul.u32 $0x500, s4;
	s10 =	sshrl.u32 s7, $0x3  }
0x8: {  	s11 =	sshrl.u32 s6, $0x1;
	s30 =	sshrl.u32 s29, $0x2;
	s7 =	sadd.s32 s7, s8  }
0x9: {  	s10 =	sadd.s32 s10, s5;
	s11 =	ssub.s32 s6, s11;
	s12 =	sadd.s32 s30, s2  }
0xa: {  	s9 =	sadd.s32 s4, s5;
	s4 =	sadd.s32 $0x40E00, s5;
	s7 =	sshrl.u32 s7, $0x3  }
0xb: {  	s6 =	sadd.s32 $0x19600, s10;
	s8 =	smax.u32 s11, $0x1;
	s10 =	simm.s32 $0x2800  }
0xc: {  	s11 =	sor.u32 $0x1C01, s31;
	s12 =	sshrl.u32 s12, $0x3;
	s7 =	sadd.s32 s7, s5  }
0xd: {  	s5 =	sadd.s32 $0x5600, s9;
	s9 =	simm.s32 $0x1;
	s7 =	sadd.s32 $0x41600, s7  }
.LBB2_1:
0xe: {  	[tilespmem:s3], [sflag:$0x1] =	stream.linear.gather [hbm4b:s5+s3], $0x2800, $0x38;
	[tilespmem:$0x8F80] =	vst v63  }
0xf: {  	_ =	swait.ge [sflag:s9], $0x2800  }
0x10: {  	[sflag:s9] =	ssyncset.done $0x0  }
0x11: {  	[sflag:s9] =	ssyncadd.s32 $0xFFFFD800  }
0x12: {  	[tilespmem:s10], [sflag:$0x1] =	stream.linear.gather [hbm4b:s4+s3], $0x4000, $0x38;
	[tilespmem:$0x8F80] =	vst v63  }
0x13: {  	_ =	swait.ge [sflag:s9], $0x4000  }
0x14: {  	[sflag:s9] =	ssyncset.done $0x0  }
0x15: {  	[sflag:s9] =	ssyncadd.s32 $0xFFFFC000  }
0x16: {  	[spmem:s12], [sflag:s11] =	dma.local [hbm:s6], $0x2780  }
0x17: {  	_ =	swait.ge [sflag:s9], $0x2780  }
0x18: {  	[sflag:s9] =	ssyncset.done $0x0  }
0x19: {  	[sflag:s9] =	ssyncadd.s32 $0xFFFFD880  }
0x1a: {  	s15 =	simm.s32 $0x0;
	[bflag:$0x0] =	sbarrier.arrive $0xFFFF  }
0x1b: {  	[spmem:s2] =	stream.indirect.scatter.add.f32 [tilespmem:s10], [sflag:$0x1], $0x10, s15, s13, $0xb8;
	[tilespmem:$0x8F80] =	vst v63  }
0x1c: {  	_ =	swait.ge [sflag:s9], $0x800  }
0x1d: {  	s15 =	simm.s32 $0x200;
	[sflag:s9] =	ssyncset.done $0x0  }
.LBB2_2:
0x1e: {  	s16 =	sshra.s32 s15, $0x2;
	[sflag:s9] =	ssyncadd.s32 $0xFFFFF800;
	p0 =	sne.s32 s15, $0x9E00  }
0x1f: {  	[spmem:s2] =	stream.indirect.scatter.add.f32 [tilespmem:s10], [sflag:$0x1], $0x10, s16, s13, $0xb8;
	[tilespmem:$0x8F80] =	vst v63  }
.Ltmp0:
0x20: {  	_ = 	snop;
	(pc) =	sbr.rel @p0 .LBB2_2-.Ltmp0, $4  }
0x21: {  	_ = 	snop  }
0x22: {  	s15 =	sadd.s32 $0x200, s15  }
0x23: {  	_ =	swait.ge [sflag:s9], $0x800  }
0x24: {  	[sflag:s9] =	ssyncset.done $0x0  }
0x25: {  	s14 =	sadd.s32 $0x1, s14  }
0x26: {  	[sflag:s9] =	ssyncadd.s32 $0xFFFFF800;
	p0 =	sne.s32 s14, s8  }
.Ltmp1:
0x27: {  	[bflag:$0x0] =	sbarrier.arrive $0xFFFF;
	(pc) =	sbr.rel @p0 .LBB2_1-.Ltmp1, $4  }
0x28: {  	[hbm:s7], [sflag:s11] =	dma.local [spmem:s12], $0x2780  }
0x29: {  	_ =	swait.ge [sflag:s9], $0x2780  }
0x2a: {  	[sflag:s9] =	ssyncset.done $0x0  }
0x2b: {  	[sflag:s9] =	ssyncadd.s32 $0xFFFFD880  }
0x2c: {  	_ =	sfence.sel $0x180000  }
0x2d: {  	[bflag:$0x0] =	sbarrier.arrive $0xFFFF  }
0x2e: {  	p0 =	sne.s32 s0, $0x0;
	_ =	strace $0x90000047  }
0x2f: {  	s0 =	sadd.s32 @!p0 $0x100000, s1;
	[bflag:$0x2] =	sbarrier.arrive $0xFFFF  }
0x30: {  	[sflag:s0] =	ssyncadd.tile.s32 @!p0 $0x1;
	_ =	shalt  }
.Lfunc_end2:
_tile_overlayer_lowered:
.L_overlay_start_2:
0x31: {  	(tag) =	ssettag $0x2  }
0x32: {  	s0 =	rddreg [dreg:$0x0];
	s2 =	stileid.u32  }
0x33: {  	s1 =	rddreg [dreg:$0x1];
	p0 =	sne.s32 s2, $0x0  }
0x34: {  	s3 =	rddreg [dreg:$0x2];
	[bflag:$0x3] =	sbarrier.arrive $0xFFFF;
	s2 =	simm.s32 @!p0 $0x1C01  }
0x35: {  	[timem:s3], [sflag:s2] =	dma.local @!p0 [hbm:s0], s1  }
0x36: {  	s0 =	simm.s32 @!p0 $0x1  }
0x37: {  	_ =	swait.ge @!p0 [sflag:s0], s1  }
0x38: {  	s1 =	ssub.s32 @!p0 $0x0, s1;
	[sflag:s0] =	ssyncset.done @!p0 $0x0  }
0x39: {  	[sflag:s0] =	ssyncadd.s32 @!p0 s1  }
0x3a: {  	[bflag:$0x3] =	sbarrier.arrive $0xFFFF  }
0x3b: {  	_ =	shalt  }

// kernel: kernel.13.cloned.1.call-start
scs
__scs_entry_jumppad:
0x0: {  	(pc) =	sbr.rel $0x88, $3  }
0x1: {  	(tag) =	ssettag $0x0;
	lr =	simm.s32 $0x1  }
0x2: {  	[smem:$0x3F87] =	sst lr;
	_ =	strace $0xD0000000  }
0x3: {  	_ = 	snop  }
0x4: {  	_ = 	snop  }
0x5: {  	_ = 	snop  }
0x6: {  	_ = 	snop  }
0x7: {  	_ = 	snop  }
__scs_overlays_trampoline_lowered:
0x8: {  	[smem:$0x3F96] =	sst s0  }
0x9: {  	[smem:$0x3F97] =	sst s1  }
0xa: {  	[smem:$0x3F98] =	sst s2  }
0xb: {  	[smem:$0x3F99] =	sst s3  }
0xc: {  	[smem:$0x3F9A] =	sst s4  }
0xd: {  	[smem:$0x3F9B] =	sst s5  }
0xe: {  	[smem:$0x3F9C] =	sst s6  }
0xf: {  	[smem:$0x3F9D] =	sst s7  }
0x10: {  	[smem:$0x3F9E] =	sst s8  }
0x11: {  	[smem:$0x3F9F] =	sst s9;
	s0 =	simm.s32 @!p0 $0x0  }
0x12: {  	s1 =	sld [smem:$0x3F85];
	s0 =	simm.s32 @p0 $0x1  }
0x13: {  	[smem:$0x3FA0] =	sst s0;
	s0 =	simm.s32 @!p1 $0x0  }
0x14: {  	s2 =	sld [smem:$0x3F84];
	s0 =	simm.s32 @p1 $0x1  }
0x15: {  	[smem:$0x3FA1] =	sst s0;
	s0 =	simm.s32 @!p2 $0x0  }
0x16: {  	s3 =	sld [smem:$0x3FDB];
	s0 =	simm.s32 @p2 $0x1  }
0x17: {  	s4 =	simm.s32 $0x1BF5;
	[smem:$0x3FA3] =	sst s0  }
0x18: {  	s0 =	sld [smem:$0x3F86];
	_ =	swait.ge [sflag:s4], $0x0  }
0x19: {  	s7 =	sld [smem:$0x3F87]  }
0x1a: {  	s8 =	sadd.s32 $0xFFFFE003, lr  }
0x1b: {  	s9 =	sadd.s32 $0xFFFFFEF7, lr;
	s5 =	simm.s32 $0xFFFFFFFF;
	p2 =	slt.u32 s8, $0xFFFFF086  }
0x1c: {  	p1 =	slt.u32 s9, $0xF7A;
	s5 =	simm.s32 @!p2 $0x0  }
0x1d: {  	s5 =	simm.s32 @p1 $0x1;
	p0 =	seq.s32 s7, s2  }
0x1e: {  	s7 =	smul.u32 @!p0 $0xF7A, s2;
	p2 =	seq.s32 @!p0 s5, $0x0  }
0x1f: {  	s9 =	smul.u32 $0xF7A, s1;
	s8 =	simm.s32 @!p0 $0x1BF5;
	p2 =	por !p2, p0  }
0x20: {  	[sflag:s8] =	ssyncset.s32 @!p0 $0xFFFFF086;
	s6 =	sadd.s32 @!p0 s3, s7;
	s7 =	simm.s32 @!p0 $0x108  }
0x21: {  	s3 =	sadd.s32 s3, s9;
	s6 =	sadd.s32 @!p0 $0x88, s6;
	s7 =	simm.s32 @p2 $0x1082  }
0x22: {  	[simem:s7], [sflag:s8] =	dma.local @!p0 [hbm:s6], $0xF7A  }
0x23: {  	s9 =	sor.u32 $0xD0000000, s2;
	s6 =	simm.s32 $0x108;
	_ =	swait.ge @!p0 [sflag:s8], $0x0  }
0x24: {  	s3 =	sadd.s32 $0x88, s3;
	s6 =	simm.s32 @!p1 $0x1082;
	[sflag:s4] =	ssyncset.s32 $0xFFFFF086  }
0x25: {  	[simem:s6], [sflag:s4] =	dma.local [hbm:s3], $0xF7A  }
0x26: {  	[smem:$0x3F87] =	sst s1;
	(tag) =	ssettag s2;
	_ =	strace s9  }
0x27: {  	s1 =	sld [smem:$0x3F97]  }
0x28: {  	s2 =	sld [smem:$0x3F98]  }
0x29: {  	s4 =	sld [smem:$0x3F9A]  }
0x2a: {  	p0 =	seq.s32 s5, $0x0;
	s5 =	sld [smem:$0x3F9B]  }
0x2b: {  	s6 =	sld [smem:$0x3F9C]  }
0x2c: {  	s7 =	sld [smem:$0x3F9D]  }
0x2d: {  	s3 =	simm.s32 $0x108;
	s8 =	sld [smem:$0x3F9E]  }
0x2e: {  	s3 =	simm.s32 @!p0 $0x1082;
	s9 =	sld [smem:$0x3F9F]  }
0x2f: {  	lr =	sadd.s32 s0, s3;
	s0 =	sld [smem:$0x3F96]  }
0x30: {  	s3 =	sld [smem:$0x3F99]  }
0x31: {  	[smem:$0x3FA2] =	sst s10  }
0x32: {  	s10 =	sld [smem:$0x3FA0];
	_ =	sdelay $0x3  }
0x33: {  	p0 =	seq.s32 s10, $0x1;
	s10 =	sld [smem:$0x3FA2];
	_ =	sdelay $0x3  }
0x34: {  	[smem:$0x3FA2] =	sst s10  }
0x35: {  	s10 =	sld [smem:$0x3FA1];
	_ =	sdelay $0x3  }
0x36: {  	p1 =	seq.s32 s10, $0x1;
	s10 =	sld [smem:$0x3FA2];
	_ =	sdelay $0x3  }
0x37: {  	[smem:$0x3FA2] =	sst s10  }
0x38: {  	s10 =	sld [smem:$0x3FA3]  }
0x39: {  	_ = 	snop;
	(pc) =	sbr.ind lr, $3  }
0x3a: {  	_ = 	snop  }
0x3b: {  	_ = 	snop  }
0x3c: {  	p2 =	seq.s32 s10, $0x1;
	s10 =	sld [smem:$0x3FA2]  }
0x3d: {  	_ =	shalt  }
0x3e: {  	_ =	shalt  }
0x3f: {  	_ =	shalt  }
0x40: {  	_ =	shalt  }
0x41: {  	_ =	shalt  }
0x42: {  	_ =	shalt  }
0x43: {  	_ =	shalt  }
0x44: {  	_ =	shalt  }
0x45: {  	_ =	shalt  }
0x46: {  	_ =	shalt  }
0x47: {  	_ =	shalt  }
0x48: {  	_ =	shalt  }
0x49: {  	_ =	shalt  }
0x4a: {  	_ =	shalt  }
0x4b: {  	_ =	shalt  }
0x4c: {  	_ =	shalt  }
0x4d: {  	_ =	shalt  }
0x4e: {  	_ =	shalt  }
0x4f: {  	_ =	shalt  }
0x50: {  	_ =	shalt  }
0x51: {  	_ =	shalt  }
0x52: {  	_ =	shalt  }
0x53: {  	_ =	shalt  }
0x54: {  	_ =	shalt  }
0x55: {  	_ =	shalt  }
0x56: {  	_ =	shalt  }
0x57: {  	_ =	shalt  }
0x58: {  	_ =	shalt  }
0x59: {  	_ =	shalt  }
0x5a: {  	_ =	shalt  }
0x5b: {  	_ =	shalt  }
0x5c: {  	_ =	shalt  }
0x5d: {  	_ =	shalt  }
0x5e: {  	_ =	shalt  }
0x5f: {  	_ =	shalt  }
0x60: {  	_ =	shalt  }
0x61: {  	_ =	shalt  }
0x62: {  	_ =	shalt  }
0x63: {  	_ =	shalt  }
0x64: {  	_ =	shalt  }
0x65: {  	_ =	shalt  }
0x66: {  	_ =	shalt  }
0x67: {  	_ =	shalt  }
0x68: {  	_ =	shalt  }
0x69: {  	_ =	shalt  }
0x6a: {  	_ =	shalt  }
0x6b: {  	_ =	shalt  }
0x6c: {  	_ =	shalt  }
0x6d: {  	_ =	shalt  }
0x6e: {  	_ =	shalt  }
0x6f: {  	_ =	shalt  }
0x70: {  	_ =	shalt  }
0x71: {  	_ =	shalt  }
0x72: {  	_ =	shalt  }
0x73: {  	_ =	shalt  }
0x74: {  	_ =	shalt  }
0x75: {  	_ =	shalt  }
0x76: {  	_ =	shalt  }
0x77: {  	_ =	shalt  }
0x78: {  	_ =	shalt  }
0x79: {  	_ =	shalt  }
0x7a: {  	_ =	shalt  }
0x7b: {  	_ =	shalt  }
0x7c: {  	_ =	shalt  }
0x7d: {  	_ =	shalt  }
0x7e: {  	_ =	shalt  }
0x7f: {  	_ =	shalt  }
0x80: {  	_ =	shalt  }
0x81: {  	_ =	shalt  }
0x82: {  	_ =	shalt  }
0x83: {  	_ =	shalt  }
0x84: {  	_ =	shalt  }
0x85: {  	_ =	shalt  }
0x86: {  	_ =	shalt  }
0x87: {  	_ =	shalt  }
.Lfunc_end0:
.L_simem_size_0:
called_computation.1_lowered:
.L_overlay_start_0:
0x88: {  	s2 =	sld [smem:$0x3FD9]  }
0x89: {  	s3 =	sld [smem:$0x3FFE];
	_ =	sdelay $0x1  }
0x8a: {  	s1 =	srdreg.scid  }
0x8b: {  	s0 =	sand.u32 $0x1, s1  }
0x8c: {  	s16 =	sshll.u32 s0, $0xA;
	s2 =	sadd.s32 s3, s2  }
0x8d: {  	s2 =	sadd.s32 s2, s16  }
0x8e: {  	[smem:$0x3FAE] =	sst s2  }
0x8f: {  	_ = 	snop  }
0x90: {  	(tm) =	ssettm $0x1  }
0x91: {  	s17 =	sld [smem:$0x3FFB];
	_ =	sdelay $0x3  }
0x92: {  	_ =	strace s17  }
0x93: {  	s2 =	sld [smem:$0x3FFC];
	_ =	sdelay $0x3  }
0x94: {  	_ =	strace s2  }
0x95: {  	s2 =	sld [smem:$0x3FFD];
	_ =	sdelay $0x3  }
0x96: {  	_ =	strace s2  }
0x97: {  	_ =	strace $0x8FFFFFFF  }
0x98: {  	s18 =	sld [smem:$0x3FDB];
	_ =	sdelay $0x1  }
0x99: {  	s19 =	simm.s32 $_scs_section_size  }
0x9a: {  	s4 =	simm.s32 $_size__tile_overlayer_lowered;
	s5 =	simm.s32 $_tile_overlayer_lowered  }
0x9b: {  	s22 =	simm.s32 $0x1BFF;
	s21 =	sshll.u32 s5, $0x1;
	s2 =	sadd.s32 s19, s18  }
0x9c: {  	s6 =	simm.s32 $0x0;
	s20 =	sshll.u32 s4, $0x1;
	s4 =	sadd.s32 s21, s2  }
0x9d: {  	[timem:s6], [sflag:s22] =	dma.local [hbm:s4], s20  }
0x9e: {  	_ =	swait.ge [sflag:s22], s20  }
0x9f: {  	s3 =	ssub.s32 $0x0, s20;
	[sflag:s22] =	ssyncset.done $0x0  }
0xa0: {  	[sflag:s22] =	ssyncadd.s32 s3;
	_ =	sdelay $0x1  }
0xa1: {  	s23 =	simm.s32 $0x1B8B  }
0xa2: {  	_ =	swait.ge [sflag:s23], $0x1  }
0xa3: {  	[sflag:s23] =	ssyncset.done $0x0  }
0xa4: {  	s25 =	simm.s32 $0x1B8E;
	s24 =	sld [smem:$0x3FFE];
	[sflag:s23] =	ssyncadd.s32 $0xFFFFFFFF  }
0xa5: {  	s26 =	simm.s32 $execute0_lowered;
	[smem:$0x3FD2] =	sst s25  }
0xa6: {  	s4 =	sshll.u32 s26, $0x1;
	_ =	strace $0x80000049;
	[dreg:$0x1] =	wrdreg $0xFFFFFFFF  }
0xa7: {  	s28 =	simm.s32 $_size_execute0_lowered;
	s2 =	sadd.s32 s2, s4;
	[dreg:$0x0] =	wrdreg $0x0  }
0xa8: {  	s4 =	sshll.u32 s28, $0x1;
	[dreg:$0x2] =	wrdreg s2  }
0xa9: {  	[dreg:$0x3] =	wrdreg s4  }
0xaa: {  	[dreg:$0x4] =	wrdreg $0xC0  }
0xab: {  	_ =	task [dreg:s6], $0x5FFFF  }
0xac: {  	[dreg:$0x1] =	wrdreg $0xFFFFFFFF  }
0xad: {  	[dreg:$0x0] =	wrdreg $0x60  }
0xae: {  	[dreg:$0x2] =	wrdreg s24  }
0xaf: {  	[dreg:$0x3] =	wrdreg $0x90000  }
0xb0: {  	[dreg:$0x4] =	wrdreg $0x9  }
0xb1: {  	_ =	task.clear_ibuf [dreg:s6], $0x5FFFF;
	_ =	strace $0x90000049  }
0xb2: {  	s29 =	simm.s32 $0x9;
	_ =	strace $0x8000004B  }
0xb3: {  	_ =	swait.ge [sflag:s29], $0x1  }
0xb4: {  	[sflag:s29] =	ssyncadd.s32 $0xFFFFFFFF  }
0xb5: {  	_ =	strace $0x9000004B  }
0xb6: {  	_ =	sfence  }
0xb7: {  	s30 =	sld [smem:$0x0];
	_ =	sdelay $0x2  }
0xb8: {  	s31 =	sshll.u32 s1, $0xD;
	s1 =	sshrl.u32 s1, $0x2  }
0xb9: {  	s3 =	sand.u32 $0x4000, s31;
	s1 =	sadd.s32 s1, s30  }
0xba: {  	s0 =	sor.u32 s3, s0;
	s1 =	sshll.u32 s1, $0x11  }
0xbb: {  	s0 =	sor.u32 s1, s0  }
0xbc: {  	s0 =	sadd.s32 $0x8F2B, s0  }
0xbd: {  	[sflag:s0] =	ssyncadd.remote.s32 $0x1  }
0xbe: {  	_ =	sfence.sel $0xFFFF  }
0xbf: {  	[dreg:$0x0] =	wrdreg $0xFFFFFFFF;
	(pc) =	sbr.abs _section_cstart, $3  }
0xc0: {  	[dreg:$0x1] =	wrdreg $0xFFFFFFFF  }
0xc1: {  	_ =	task.clear_ibuf [dreg:s6], $0x2FFFF;
	_ =	strace $0x9FFFFFFF  }
0xc2: {  	(tm) =	ssettm $0x7FFFFFFF  }
0xc3: {  	_ =	shalt  }
tec
execute0_lowered:
.L_overlay_start_1:
0x0: {  	(tag) =	ssettag $0x1  }
0x1: {  	s1 =	srdreg.scid;
	s6 =	rddreg [dreg:$0x0]  }
0x2: {  	s0 =	stileid.u32;
	s2 =	rddreg [dreg:$0x1]  }
0x3: {  	s3 =	simm.s32 $0x0;
	s14 =	simm.s32 $0x80;
	s15 =	simm.s32 $0x5000  }
0x4: {  	s16 =	simm.s32 $0x0;
	s5 =	sand.u32 $0x1, s1;
	s29 =	sshll.u32 s0, $0x1  }
0x5: {  	s8 =	smul.u32 $0x13C00, s0;
	[smem:$0x7FF] =	sst s3;
	s4 =	sadd.s32 $0x19600, s6  }
0x6: {  	s11 =	smul.u32 $0x4F000, s0;
	s12 =	sshll.u32 s0, $0x6;
	s1 =	sor.u32 s5, s29  }
0x7: {  	s9 =	smul.u32 $0x13C000, s5;
	s5 =	ssub.s32 $0x2, s5;
	s12 =	sor.u32 $0x1C01, s12  }
0x8: {  	s7 =	smul.u32 $0x500, s1;
	s1 =	rddreg [dreg:$0x2];
	_ =	strace $0x8000004A  }
0x9: {  	s10 =	sshrl.u32 s8, $0x3;
	s30 =	sshrl.u32 s5, $0x1;
	s31 =	sshrl.u32 s11, $0x2  }
0xa: {  	s11 =	simm.s32 $0x2800;
	s8 =	sadd.s32 s8, s9;
	s10 =	sadd.s32 s10, s6  }
0xb: {  	s9 =	ssub.s32 s5, s30;
	s13 =	sadd.s32 s31, s2;
	s7 =	sadd.s32 s7, s6  }
0xc: {  	s8 =	sshrl.u32 s8, $0x3;
	s9 =	smax.u32 s9, $0x1;
	s13 =	sshrl.u32 s13, $0x3  }
0xd: {  	s8 =	sadd.s32 s8, s6;
	s5 =	sadd.s32 $0xF600, s7;
	s6 =	sadd.s32 $0x90600, s7  }
0xe: {  	s7 =	sadd.s32 $0x9A600, s10;
	s10 =	simm.s32 $0x1;
	s8 =	sadd.s32 $0xC1E00, s8  }
.LBB2_1:
0xf: {  	[tilespmem:s3], [sflag:$0x1] =	stream.linear.gather [hbm4b:s5+s3], $0x2800, $0x38;
	[tilespmem:$0x1CC00] =	vst v63  }
0x10: {  	_ =	swait.ge [sflag:s10], $0x2800  }
0x11: {  	[sflag:s10] =	ssyncset.done $0x0  }
0x12: {  	[sflag:s10] =	ssyncadd.s32 $0xFFFFD800  }
0x13: {  	[tilespmem:s11], [sflag:$0x1] =	stream.linear.gather [hbm4b:s6+s3], $0x2800, $0x38;
	[tilespmem:$0x1CC00] =	vst v63  }
0x14: {  	_ =	swait.ge [sflag:s10], $0x2800  }
0x15: {  	[sflag:s10] =	ssyncset.done $0x0  }
0x16: {  	[sflag:s10] =	ssyncadd.s32 $0xFFFFD800  }
0x17: {  	[spmem:s13], [sflag:s12] =	dma.local [hbm:s7], $0x2780  }
0x18: {  	_ =	swait.ge [sflag:s10], $0x2780  }
0x19: {  	[sflag:s10] =	ssyncset.done $0x0  }
0x1a: {  	[sflag:s10] =	ssyncadd.s32 $0xFFFFD880  }
0x1b: {  	s17 =	simm.s32 $0x0;
	[bflag:$0x0] =	sbarrier.arrive $0xFFFF  }
0x1c: {  	[tilespmem:s15], [sflag:$0x1] =	stream.indirect.gather [hbm4b:s4+s14], $0x80, s17, s14, $0xb8;
	[tilespmem:$0x1CC00] =	vst v63  }
0x1d: {  	_ =	swait.ge [sflag:s10], $0x4000  }
0x1e: {  	[sflag:s10] =	ssyncset.done $0x0  }
0x1f: {  	s31 =	simm.s32 $0x2800;
	[sflag:s10] =	ssyncadd.s32 $0xFFFFC000  }
0x20: {  	[spmem:s2] =	stream.indirect.scatter.add.f32 [tilespmem:s15], [sflag:$0x1], $0x80, s31, s14, $0xb8;
	[tilespmem:$0x1CC00] =	vst v63  }
0x21: {  	_ =	swait.ge [sflag:s10], $0x4000  }
0x22: {  	s18 =	simm.s32 $0x400;
	s17 =	simm.s32 $0x200;
	[sflag:s10] =	ssyncset.done $0x0  }
.LBB2_2:
0x23: {  	s19 =	sshra.s32 s17, $0x2  }
0x24: {  	[sflag:s10] =	ssyncadd.s32 $0xFFFFC000;
	s17 =	smov.u32 s18;
	s20 =	sadd.s32 $0x200, s18  }
0x25: {  	[tilespmem:s15], [sflag:$0x1] =	stream.indirect.gather [hbm4b:s4+s14], $0x80, s19, s14, $0xb8;
	[tilespmem:$0x1CC00] =	vst v63  }
0x26: {  	p0 =	sne.s32 s18, $0x9E00;
	_ =	swait.ge [sflag:s10], $0x4000  }
.Ltmp0:
0x27: {  	[sflag:s10] =	ssyncset.done $0x0;
	(pc) =	sbr.rel @p0 .LBB2_2-.Ltmp0, $4  }
0x28: {  	s18 =	sadd.s32 $0x2800, s19;
	[sflag:s10] =	ssyncadd.s32 $0xFFFFC000  }
0x29: {  	[spmem:s2] =	stream.indirect.scatter.add.f32 [tilespmem:s15], [sflag:$0x1], $0x80, s18, s14, $0xb8;
	[tilespmem:$0x1CC00] =	vst v63  }
0x2a: {  	_ =	swait.ge [sflag:s10], $0x4000  }
0x2b: {  	s18 =	smov.u32 s20;
	[sflag:s10] =	ssyncset.done $0x0  }
0x2c: {  	s17 =	sshra.s32 s17, $0x2;
	[sflag:s10] =	ssyncadd.s32 $0xFFFFC000  }
0x2d: {  	[tilespmem:s15], [sflag:$0x1] =	stream.indirect.gather [hbm4b:s4+s14], $0x80, s17, s14, $0xb8;
	[tilespmem:$0x1CC00] =	vst v63  }
0x2e: {  	_ =	swait.ge [sflag:s10], $0x4000  }
0x2f: {  	[sflag:s10] =	ssyncset.done $0x0  }
0x30: {  	s17 =	sadd.s32 $0x2800, s17;
	[sflag:s10] =	ssyncadd.s32 $0xFFFFC000  }
0x31: {  	[spmem:s2] =	stream.indirect.scatter.add.f32 [tilespmem:s15], [sflag:$0x1], $0x80, s17, s14, $0xb8;
	[tilespmem:$0x1CC00] =	vst v63  }
0x32: {  	_ =	swait.ge [sflag:s10], $0x4000  }
0x33: {  	s16 =	sadd.s32 $0x1, s16;
	[sflag:s10] =	ssyncset.done $0x0  }
0x34: {  	p0 =	sne.s32 s16, s9;
	[sflag:s10] =	ssyncadd.s32 $0xFFFFC000  }
.Ltmp1:
0x35: {  	[bflag:$0x0] =	sbarrier.arrive $0xFFFF;
	(pc) =	sbr.rel @p0 .LBB2_1-.Ltmp1, $4  }
0x36: {  	[hbm:s8], [sflag:s12] =	dma.local [spmem:s13], $0x2780  }
0x37: {  	_ =	swait.ge [sflag:s10], $0x2780  }
0x38: {  	[sflag:s10] =	ssyncset.done $0x0  }
0x39: {  	[sflag:s10] =	ssyncadd.s32 $0xFFFFD880  }
0x3a: {  	_ =	sfence.sel $0x180000  }
0x3b: {  	[bflag:$0x0] =	sbarrier.arrive $0xFFFF  }
0x3c: {  	p0 =	sne.s32 s0, $0x0;
	_ =	strace $0x9000004A  }
0x3d: {  	s0 =	sadd.s32 @!p0 $0x100000, s1;
	[bflag:$0x2] =	sbarrier.arrive $0xFFFF  }
0x3e: {  	[sflag:s0] =	ssyncadd.tile.s32 @!p0 $0x1;
	_ =	shalt  }
.Lfunc_end2:
_tile_overlayer_lowered:
.L_overlay_start_2:
0x3f: {  	(tag) =	ssettag $0x2  }
0x40: {  	s0 =	rddreg [dreg:$0x0];
	s2 =	stileid.u32  }
0x41: {  	s1 =	rddreg [dreg:$0x1];
	p0 =	sne.s32 s2, $0x0  }
0x42: {  	s3 =	rddreg [dreg:$0x2];
	[bflag:$0x3] =	sbarrier.arrive $0xFFFF;
	s2 =	simm.s32 @!p0 $0x1C01  }
0x43: {  	[timem:s3], [sflag:s2] =	dma.local @!p0 [hbm:s0], s1  }
0x44: {  	s0 =	simm.s32 @!p0 $0x1  }
0x45: {  	_ =	swait.ge @!p0 [sflag:s0], s1  }
0x46: {  	s1 =	ssub.s32 @!p0 $0x0, s1;
	[sflag:s0] =	ssyncset.done @!p0 $0x0  }
0x47: {  	[sflag:s0] =	ssyncadd.s32 @!p0 s1  }
0x48: {  	[bflag:$0x3] =	sbarrier.arrive $0xFFFF  }
0x49: {  	_ =	shalt  }

// kernel: kernel.16.cloned.1.call-start
scs
__scs_entry_jumppad:
0x0: {  	(pc) =	sbr.rel $0x88, $3  }
0x1: {  	(tag) =	ssettag $0x0;
	lr =	simm.s32 $0x1  }
0x2: {  	[smem:$0x3F87] =	sst lr;
	_ =	strace $0xD0000000  }
0x3: {  	_ = 	snop  }
0x4: {  	_ = 	snop  }
0x5: {  	_ = 	snop  }
0x6: {  	_ = 	snop  }
0x7: {  	_ = 	snop  }
__scs_overlays_trampoline_lowered:
0x8: {  	[smem:$0x3F96] =	sst s0  }
0x9: {  	[smem:$0x3F97] =	sst s1  }
0xa: {  	[smem:$0x3F98] =	sst s2  }
0xb: {  	[smem:$0x3F99] =	sst s3  }
0xc: {  	[smem:$0x3F9A] =	sst s4  }
0xd: {  	[smem:$0x3F9B] =	sst s5  }
0xe: {  	[smem:$0x3F9C] =	sst s6  }
0xf: {  	[smem:$0x3F9D] =	sst s7  }
0x10: {  	[smem:$0x3F9E] =	sst s8  }
0x11: {  	[smem:$0x3F9F] =	sst s9;
	s0 =	simm.s32 @!p0 $0x0  }
0x12: {  	s1 =	sld [smem:$0x3F85];
	s0 =	simm.s32 @p0 $0x1  }
0x13: {  	[smem:$0x3FA0] =	sst s0;
	s0 =	simm.s32 @!p1 $0x0  }
0x14: {  	s2 =	sld [smem:$0x3F84];
	s0 =	simm.s32 @p1 $0x1  }
0x15: {  	[smem:$0x3FA1] =	sst s0;
	s0 =	simm.s32 @!p2 $0x0  }
0x16: {  	s3 =	sld [smem:$0x3FDB];
	s0 =	simm.s32 @p2 $0x1  }
0x17: {  	s4 =	simm.s32 $0x1BF5;
	[smem:$0x3FA3] =	sst s0  }
0x18: {  	s0 =	sld [smem:$0x3F86];
	_ =	swait.ge [sflag:s4], $0x0  }
0x19: {  	s7 =	sld [smem:$0x3F87]  }
0x1a: {  	s8 =	sadd.s32 $0xFFFFE003, lr  }
0x1b: {  	s9 =	sadd.s32 $0xFFFFFEF7, lr;
	s5 =	simm.s32 $0xFFFFFFFF;
	p2 =	slt.u32 s8, $0xFFFFF086  }
0x1c: {  	p1 =	slt.u32 s9, $0xF7A;
	s5 =	simm.s32 @!p2 $0x0  }
0x1d: {  	s5 =	simm.s32 @p1 $0x1;
	p0 =	seq.s32 s7, s2  }
0x1e: {  	s7 =	smul.u32 @!p0 $0xF7A, s2;
	p2 =	seq.s32 @!p0 s5, $0x0  }
0x1f: {  	s9 =	smul.u32 $0xF7A, s1;
	s8 =	simm.s32 @!p0 $0x1BF5;
	p2 =	por !p2, p0  }
0x20: {  	[sflag:s8] =	ssyncset.s32 @!p0 $0xFFFFF086;
	s6 =	sadd.s32 @!p0 s3, s7;
	s7 =	simm.s32 @!p0 $0x108  }
0x21: {  	s3 =	sadd.s32 s3, s9;
	s6 =	sadd.s32 @!p0 $0x88, s6;
	s7 =	simm.s32 @p2 $0x1082  }
0x22: {  	[simem:s7], [sflag:s8] =	dma.local @!p0 [hbm:s6], $0xF7A  }
0x23: {  	s9 =	sor.u32 $0xD0000000, s2;
	s6 =	simm.s32 $0x108;
	_ =	swait.ge @!p0 [sflag:s8], $0x0  }
0x24: {  	s3 =	sadd.s32 $0x88, s3;
	s6 =	simm.s32 @!p1 $0x1082;
	[sflag:s4] =	ssyncset.s32 $0xFFFFF086  }
0x25: {  	[simem:s6], [sflag:s4] =	dma.local [hbm:s3], $0xF7A  }
0x26: {  	[smem:$0x3F87] =	sst s1;
	(tag) =	ssettag s2;
	_ =	strace s9  }
0x27: {  	s1 =	sld [smem:$0x3F97]  }
0x28: {  	s2 =	sld [smem:$0x3F98]  }
0x29: {  	s4 =	sld [smem:$0x3F9A]  }
0x2a: {  	p0 =	seq.s32 s5, $0x0;
	s5 =	sld [smem:$0x3F9B]  }
0x2b: {  	s6 =	sld [smem:$0x3F9C]  }
0x2c: {  	s7 =	sld [smem:$0x3F9D]  }
0x2d: {  	s3 =	simm.s32 $0x108;
	s8 =	sld [smem:$0x3F9E]  }
0x2e: {  	s3 =	simm.s32 @!p0 $0x1082;
	s9 =	sld [smem:$0x3F9F]  }
0x2f: {  	lr =	sadd.s32 s0, s3;
	s0 =	sld [smem:$0x3F96]  }
0x30: {  	s3 =	sld [smem:$0x3F99]  }
0x31: {  	[smem:$0x3FA2] =	sst s10  }
0x32: {  	s10 =	sld [smem:$0x3FA0];
	_ =	sdelay $0x3  }
0x33: {  	p0 =	seq.s32 s10, $0x1;
	s10 =	sld [smem:$0x3FA2];
	_ =	sdelay $0x3  }
0x34: {  	[smem:$0x3FA2] =	sst s10  }
0x35: {  	s10 =	sld [smem:$0x3FA1];
	_ =	sdelay $0x3  }
0x36: {  	p1 =	seq.s32 s10, $0x1;
	s10 =	sld [smem:$0x3FA2];
	_ =	sdelay $0x3  }
0x37: {  	[smem:$0x3FA2] =	sst s10  }
0x38: {  	s10 =	sld [smem:$0x3FA3]  }
0x39: {  	_ = 	snop;
	(pc) =	sbr.ind lr, $3  }
0x3a: {  	_ = 	snop  }
0x3b: {  	_ = 	snop  }
0x3c: {  	p2 =	seq.s32 s10, $0x1;
	s10 =	sld [smem:$0x3FA2]  }
0x3d: {  	_ =	shalt  }
0x3e: {  	_ =	shalt  }
0x3f: {  	_ =	shalt  }
0x40: {  	_ =	shalt  }
0x41: {  	_ =	shalt  }
0x42: {  	_ =	shalt  }
0x43: {  	_ =	shalt  }
0x44: {  	_ =	shalt  }
0x45: {  	_ =	shalt  }
0x46: {  	_ =	shalt  }
0x47: {  	_ =	shalt  }
0x48: {  	_ =	shalt  }
0x49: {  	_ =	shalt  }
0x4a: {  	_ =	shalt  }
0x4b: {  	_ =	shalt  }
0x4c: {  	_ =	shalt  }
0x4d: {  	_ =	shalt  }
0x4e: {  	_ =	shalt  }
0x4f: {  	_ =	shalt  }
0x50: {  	_ =	shalt  }
0x51: {  	_ =	shalt  }
0x52: {  	_ =	shalt  }
0x53: {  	_ =	shalt  }
0x54: {  	_ =	shalt  }
0x55: {  	_ =	shalt  }
0x56: {  	_ =	shalt  }
0x57: {  	_ =	shalt  }
0x58: {  	_ =	shalt  }
0x59: {  	_ =	shalt  }
0x5a: {  	_ =	shalt  }
0x5b: {  	_ =	shalt  }
0x5c: {  	_ =	shalt  }
0x5d: {  	_ =	shalt  }
0x5e: {  	_ =	shalt  }
0x5f: {  	_ =	shalt  }
0x60: {  	_ =	shalt  }
0x61: {  	_ =	shalt  }
0x62: {  	_ =	shalt  }
0x63: {  	_ =	shalt  }
0x64: {  	_ =	shalt  }
0x65: {  	_ =	shalt  }
0x66: {  	_ =	shalt  }
0x67: {  	_ =	shalt  }
0x68: {  	_ =	shalt  }
0x69: {  	_ =	shalt  }
0x6a: {  	_ =	shalt  }
0x6b: {  	_ =	shalt  }
0x6c: {  	_ =	shalt  }
0x6d: {  	_ =	shalt  }
0x6e: {  	_ =	shalt  }
0x6f: {  	_ =	shalt  }
0x70: {  	_ =	shalt  }
0x71: {  	_ =	shalt  }
0x72: {  	_ =	shalt  }
0x73: {  	_ =	shalt  }
0x74: {  	_ =	shalt  }
0x75: {  	_ =	shalt  }
0x76: {  	_ =	shalt  }
0x77: {  	_ =	shalt  }
0x78: {  	_ =	shalt  }
0x79: {  	_ =	shalt  }
0x7a: {  	_ =	shalt  }
0x7b: {  	_ =	shalt  }
0x7c: {  	_ =	shalt  }
0x7d: {  	_ =	shalt  }
0x7e: {  	_ =	shalt  }
0x7f: {  	_ =	shalt  }
0x80: {  	_ =	shalt  }
0x81: {  	_ =	shalt  }
0x82: {  	_ =	shalt  }
0x83: {  	_ =	shalt  }
0x84: {  	_ =	shalt  }
0x85: {  	_ =	shalt  }
0x86: {  	_ =	shalt  }
0x87: {  	_ =	shalt  }
.Lfunc_end0:
.L_simem_size_0:
called_computation.2_lowered:
.L_overlay_start_0:
0x88: {  	s2 =	sld [smem:$0x3FD9]  }
0x89: {  	s3 =	sld [smem:$0x3FFE];
	_ =	sdelay $0x1  }
0x8a: {  	s1 =	srdreg.scid  }
0x8b: {  	s0 =	sand.u32 $0x1, s1  }
0x8c: {  	s16 =	sshll.u32 s0, $0xA;
	s2 =	sadd.s32 s3, s2  }
0x8d: {  	s2 =	sadd.s32 s2, s16  }
0x8e: {  	[smem:$0x3FAE] =	sst s2  }
0x8f: {  	_ = 	snop  }
0x90: {  	(tm) =	ssettm $0x1  }
0x91: {  	s17 =	sld [smem:$0x3FFB];
	_ =	sdelay $0x3  }
0x92: {  	_ =	strace s17  }
0x93: {  	s2 =	sld [smem:$0x3FFC];
	_ =	sdelay $0x3  }
0x94: {  	_ =	strace s2  }
0x95: {  	s2 =	sld [smem:$0x3FFD];
	_ =	sdelay $0x3  }
0x96: {  	_ =	strace s2  }
0x97: {  	_ =	strace $0x8FFFFFFF  }
0x98: {  	s18 =	sld [smem:$0x3FDB];
	_ =	sdelay $0x1  }
0x99: {  	s19 =	simm.s32 $_scs_section_size  }
0x9a: {  	s4 =	simm.s32 $_size__tile_overlayer_lowered;
	s5 =	simm.s32 $_tile_overlayer_lowered  }
0x9b: {  	s22 =	simm.s32 $0x1BFF;
	s21 =	sshll.u32 s5, $0x1;
	s2 =	sadd.s32 s19, s18  }
0x9c: {  	s6 =	simm.s32 $0x0;
	s20 =	sshll.u32 s4, $0x1;
	s4 =	sadd.s32 s21, s2  }
0x9d: {  	[timem:s6], [sflag:s22] =	dma.local [hbm:s4], s20  }
0x9e: {  	_ =	swait.ge [sflag:s22], s20  }
0x9f: {  	s3 =	ssub.s32 $0x0, s20;
	[sflag:s22] =	ssyncset.done $0x0  }
0xa0: {  	[sflag:s22] =	ssyncadd.s32 s3;
	_ =	sdelay $0x1  }
0xa1: {  	s23 =	simm.s32 $0x1B8B  }
0xa2: {  	_ =	swait.ge [sflag:s23], $0x1  }
0xa3: {  	[sflag:s23] =	ssyncset.done $0x0  }
0xa4: {  	s25 =	simm.s32 $0x1B8E;
	s24 =	sld [smem:$0x3FFE];
	[sflag:s23] =	ssyncadd.s32 $0xFFFFFFFF  }
0xa5: {  	s26 =	simm.s32 $execute0_lowered;
	[smem:$0x3FD2] =	sst s25  }
0xa6: {  	s4 =	sshll.u32 s26, $0x1;
	_ =	strace $0x8000004C;
	[dreg:$0x1] =	wrdreg $0xFFFFFFFF  }
0xa7: {  	s28 =	simm.s32 $_size_execute0_lowered;
	s2 =	sadd.s32 s2, s4;
	[dreg:$0x0] =	wrdreg $0x0  }
0xa8: {  	s4 =	sshll.u32 s28, $0x1;
	[dreg:$0x2] =	wrdreg s2  }
0xa9: {  	[dreg:$0x3] =	wrdreg s4  }
0xaa: {  	[dreg:$0x4] =	wrdreg $0xC0  }
0xab: {  	_ =	task [dreg:s6], $0x5FFFF  }
0xac: {  	[dreg:$0x1] =	wrdreg $0xFFFFFFFF  }
0xad: {  	[dreg:$0x0] =	wrdreg $0x60  }
0xae: {  	[dreg:$0x2] =	wrdreg s24  }
0xaf: {  	[dreg:$0x3] =	wrdreg $0x90000  }
0xb0: {  	[dreg:$0x4] =	wrdreg $0x9  }
0xb1: {  	_ =	task.clear_ibuf [dreg:s6], $0x5FFFF;
	_ =	strace $0x9000004C  }
0xb2: {  	s29 =	simm.s32 $0x9;
	_ =	strace $0x8000004E  }
0xb3: {  	_ =	swait.ge [sflag:s29], $0x1  }
0xb4: {  	[sflag:s29] =	ssyncadd.s32 $0xFFFFFFFF  }
0xb5: {  	_ =	strace $0x9000004E  }
0xb6: {  	_ =	sfence  }
0xb7: {  	s30 =	sld [smem:$0x0];
	_ =	sdelay $0x2  }
0xb8: {  	s31 =	sshll.u32 s1, $0xD;
	s1 =	sshrl.u32 s1, $0x2  }
0xb9: {  	s3 =	sand.u32 $0x4000, s31;
	s1 =	sadd.s32 s1, s30  }
0xba: {  	s0 =	sor.u32 s3, s0;
	s1 =	sshll.u32 s1, $0x11  }
0xbb: {  	s0 =	sor.u32 s1, s0  }
0xbc: {  	s0 =	sadd.s32 $0x8F2B, s0  }
0xbd: {  	[sflag:s0] =	ssyncadd.remote.s32 $0x1  }
0xbe: {  	_ =	sfence.sel $0xFFFF  }
0xbf: {  	[dreg:$0x0] =	wrdreg $0xFFFFFFFF;
	(pc) =	sbr.abs _section_cstart, $3  }
0xc0: {  	[dreg:$0x1] =	wrdreg $0xFFFFFFFF  }
0xc1: {  	_ =	task.clear_ibuf [dreg:s6], $0x2FFFF;
	_ =	strace $0x9FFFFFFF  }
0xc2: {  	(tm) =	ssettm $0x7FFFFFFF  }
0xc3: {  	_ =	shalt  }
tec
execute0_lowered:
.L_overlay_start_1:
0x0: {  	(tag) =	ssettag $0x1  }
0x1: {  	s1 =	srdreg.scid;
	s6 =	rddreg [dreg:$0x0]  }
0x2: {  	s0 =	stileid.u32;
	s2 =	rddreg [dreg:$0x1]  }
0x3: {  	s3 =	simm.s32 $0x0;
	s14 =	simm.s32 $0x80;
	s15 =	simm.s32 $0x5000  }
0x4: {  	s16 =	simm.s32 $0x0;
	s5 =	sand.u32 $0x1, s1;
	s29 =	sshll.u32 s0, $0x1  }
0x5: {  	s8 =	smul.u32 $0x13C00, s0;
	[smem:$0x7FF] =	sst s3;
	s4 =	sadd.s32 $0x19600, s6  }
0x6: {  	s11 =	smul.u32 $0x4F000, s0;
	s12 =	sshll.u32 s0, $0x6;
	s1 =	sor.u32 s5, s29  }
0x7: {  	s9 =	smul.u32 $0x13C000, s5;
	s5 =	ssub.s32 $0x2, s5;
	s12 =	sor.u32 $0x1C01, s12  }
0x8: {  	s7 =	smul.u32 $0x500, s1;
	s1 =	rddreg [dreg:$0x2];
	_ =	strace $0x8000004D  }
0x9: {  	s10 =	sshrl.u32 s8, $0x3;
	s30 =	sshrl.u32 s5, $0x1;
	s31 =	sshrl.u32 s11, $0x2  }
0xa: {  	s11 =	simm.s32 $0x2800;
	s8 =	sadd.s32 s8, s9;
	s10 =	sadd.s32 s10, s6  }
0xb: {  	s9 =	ssub.s32 s5, s30;
	s13 =	sadd.s32 s31, s2;
	s7 =	sadd.s32 s7, s6  }
0xc: {  	s8 =	sshrl.u32 s8, $0x3;
	s9 =	smax.u32 s9, $0x1;
	s13 =	sshrl.u32 s13, $0x3  }
0xd: {  	s8 =	sadd.s32 s8, s6;
	s5 =	sadd.s32 $0xF600, s7;
	s6 =	sadd.s32 $0x90600, s7  }
0xe: {  	s7 =	sadd.s32 $0x9A600, s10;
	s10 =	simm.s32 $0x1;
	s8 =	sadd.s32 $0xC1E00, s8  }
.LBB2_1:
0xf: {  	[tilespmem:s3], [sflag:$0x1] =	stream.linear.gather [hbm4b:s5+s3], $0x2800, $0x38;
	[tilespmem:$0x1CC00] =	vst v63  }
0x10: {  	_ =	swait.ge [sflag:s10], $0x2800  }
0x11: {  	[sflag:s10] =	ssyncset.done $0x0  }
0x12: {  	[sflag:s10] =	ssyncadd.s32 $0xFFFFD800  }
0x13: {  	[tilespmem:s11], [sflag:$0x1] =	stream.linear.gather [hbm4b:s6+s3], $0x2800, $0x38;
	[tilespmem:$0x1CC00] =	vst v63  }
0x14: {  	_ =	swait.ge [sflag:s10], $0x2800  }
0x15: {  	[sflag:s10] =	ssyncset.done $0x0  }
0x16: {  	[sflag:s10] =	ssyncadd.s32 $0xFFFFD800  }
0x17: {  	[spmem:s13], [sflag:s12] =	dma.local [hbm:s7], $0x2780  }
0x18: {  	_ =	swait.ge [sflag:s10], $0x2780  }
0x19: {  	[sflag:s10] =	ssyncset.done $0x0  }
0x1a: {  	[sflag:s10] =	ssyncadd.s32 $0xFFFFD880  }
0x1b: {  	s17 =	simm.s32 $0x0;
	[bflag:$0x0] =	sbarrier.arrive $0xFFFF  }
0x1c: {  	[tilespmem:s15], [sflag:$0x1] =	stream.indirect.gather [hbm4b:s4+s14], $0x80, s17, s14, $0xb8;
	[tilespmem:$0x1CC00] =	vst v63  }
0x1d: {  	_ =	swait.ge [sflag:s10], $0x4000  }
0x1e: {  	[sflag:s10] =	ssyncset.done $0x0  }
0x1f: {  	s31 =	simm.s32 $0x2800;
	[sflag:s10] =	ssyncadd.s32 $0xFFFFC000  }
0x20: {  	[spmem:s2] =	stream.indirect.scatter.add.f32 [tilespmem:s15], [sflag:$0x1], $0x80, s31, s14, $0xb8;
	[tilespmem:$0x1CC00] =	vst v63  }
0x21: {  	_ =	swait.ge [sflag:s10], $0x4000  }
0x22: {  	s18 =	simm.s32 $0x400;
	s17 =	simm.s32 $0x200;
	[sflag:s10] =	ssyncset.done $0x0  }
.LBB2_2:
0x23: {  	s19 =	sshra.s32 s17, $0x2  }
0x24: {  	[sflag:s10] =	ssyncadd.s32 $0xFFFFC000;
	s17 =	smov.u32 s18;
	s20 =	sadd.s32 $0x200, s18  }
0x25: {  	[tilespmem:s15], [sflag:$0x1] =	stream.indirect.gather [hbm4b:s4+s14], $0x80, s19, s14, $0xb8;
	[tilespmem:$0x1CC00] =	vst v63  }
0x26: {  	p0 =	sne.s32 s18, $0x9E00;
	_ =	swait.ge [sflag:s10], $0x4000  }
.Ltmp0:
0x27: {  	[sflag:s10] =	ssyncset.done $0x0;
	(pc) =	sbr.rel @p0 .LBB2_2-.Ltmp0, $4  }
0x28: {  	s18 =	sadd.s32 $0x2800, s19;
	[sflag:s10] =	ssyncadd.s32 $0xFFFFC000  }
0x29: {  	[spmem:s2] =	stream.indirect.scatter.add.f32 [tilespmem:s15], [sflag:$0x1], $0x80, s18, s14, $0xb8;
	[tilespmem:$0x1CC00] =	vst v63  }
0x2a: {  	_ =	swait.ge [sflag:s10], $0x4000  }
0x2b: {  	s18 =	smov.u32 s20;
	[sflag:s10] =	ssyncset.done $0x0  }
0x2c: {  	s17 =	sshra.s32 s17, $0x2;
	[sflag:s10] =	ssyncadd.s32 $0xFFFFC000  }
0x2d: {  	[tilespmem:s15], [sflag:$0x1] =	stream.indirect.gather [hbm4b:s4+s14], $0x80, s17, s14, $0xb8;
	[tilespmem:$0x1CC00] =	vst v63  }
0x2e: {  	_ =	swait.ge [sflag:s10], $0x4000  }
0x2f: {  	[sflag:s10] =	ssyncset.done $0x0  }
0x30: {  	s17 =	sadd.s32 $0x2800, s17;
	[sflag:s10] =	ssyncadd.s32 $0xFFFFC000  }
0x31: {  	[spmem:s2] =	stream.indirect.scatter.add.f32 [tilespmem:s15], [sflag:$0x1], $0x80, s17, s14, $0xb8;
	[tilespmem:$0x1CC00] =	vst v63  }
0x32: {  	_ =	swait.ge [sflag:s10], $0x4000  }
0x33: {  	s16 =	sadd.s32 $0x1, s16;
	[sflag:s10] =	ssyncset.done $0x0  }
0x34: {  	p0 =	sne.s32 s16, s9;
	[sflag:s10] =	ssyncadd.s32 $0xFFFFC000  }
.Ltmp1:
0x35: {  	[bflag:$0x0] =	sbarrier.arrive $0xFFFF;
	(pc) =	sbr.rel @p0 .LBB2_1-.Ltmp1, $4  }
0x36: {  	[hbm:s8], [sflag:s12] =	dma.local [spmem:s13], $0x2780  }
0x37: {  	_ =	swait.ge [sflag:s10], $0x2780  }
0x38: {  	[sflag:s10] =	ssyncset.done $0x0  }
0x39: {  	[sflag:s10] =	ssyncadd.s32 $0xFFFFD880  }
0x3a: {  	_ =	sfence.sel $0x180000  }
0x3b: {  	[bflag:$0x0] =	sbarrier.arrive $0xFFFF  }
0x3c: {  	p0 =	sne.s32 s0, $0x0;
	_ =	strace $0x9000004D  }
0x3d: {  	s0 =	sadd.s32 @!p0 $0x100000, s1;
	[bflag:$0x2] =	sbarrier.arrive $0xFFFF  }
0x3e: {  	[sflag:s0] =	ssyncadd.tile.s32 @!p0 $0x1;
	_ =	shalt  }
.Lfunc_end2:
_tile_overlayer_lowered:
.L_overlay_start_2:
0x3f: {  	(tag) =	ssettag $0x2  }
0x40: {  	s0 =	rddreg [dreg:$0x0];
	s2 =	stileid.u32  }
0x41: {  	s1 =	rddreg [dreg:$0x1];
	p0 =	sne.s32 s2, $0x0  }
0x42: {  	s3 =	rddreg [dreg:$0x2];
	[bflag:$0x3] =	sbarrier.arrive $0xFFFF;
	s2 =	simm.s32 @!p0 $0x1C01  }
0x43: {  	[timem:s3], [sflag:s2] =	dma.local @!p0 [hbm:s0], s1  }
0x44: {  	s0 =	simm.s32 @!p0 $0x1  }
0x45: {  	_ =	swait.ge @!p0 [sflag:s0], s1  }
0x46: {  	s1 =	ssub.s32 @!p0 $0x0, s1;
	[sflag:s0] =	ssyncset.done @!p0 $0x0  }
0x47: {  	[sflag:s0] =	ssyncadd.s32 @!p0 s1  }
0x48: {  	[bflag:$0x3] =	sbarrier.arrive $0xFFFF  }
0x49: {  	_ =	shalt  }

// kernel: kernel.19.cloned.1.call-start
scs
__scs_entry_jumppad:
0x0: {  	(pc) =	sbr.rel $0x88, $3  }
0x1: {  	(tag) =	ssettag $0x0;
	lr =	simm.s32 $0x1  }
0x2: {  	[smem:$0x3F87] =	sst lr;
	_ =	strace $0xD0000000  }
0x3: {  	_ = 	snop  }
0x4: {  	_ = 	snop  }
0x5: {  	_ = 	snop  }
0x6: {  	_ = 	snop  }
0x7: {  	_ = 	snop  }
__scs_overlays_trampoline_lowered:
0x8: {  	[smem:$0x3F96] =	sst s0  }
0x9: {  	[smem:$0x3F97] =	sst s1  }
0xa: {  	[smem:$0x3F98] =	sst s2  }
0xb: {  	[smem:$0x3F99] =	sst s3  }
0xc: {  	[smem:$0x3F9A] =	sst s4  }
0xd: {  	[smem:$0x3F9B] =	sst s5  }
0xe: {  	[smem:$0x3F9C] =	sst s6  }
0xf: {  	[smem:$0x3F9D] =	sst s7  }
0x10: {  	[smem:$0x3F9E] =	sst s8  }
0x11: {  	[smem:$0x3F9F] =	sst s9;
	s0 =	simm.s32 @!p0 $0x0  }
0x12: {  	s1 =	sld [smem:$0x3F85];
	s0 =	simm.s32 @p0 $0x1  }
0x13: {  	[smem:$0x3FA0] =	sst s0;
	s0 =	simm.s32 @!p1 $0x0  }
0x14: {  	s2 =	sld [smem:$0x3F84];
	s0 =	simm.s32 @p1 $0x1  }
0x15: {  	[smem:$0x3FA1] =	sst s0;
	s0 =	simm.s32 @!p2 $0x0  }
0x16: {  	s3 =	sld [smem:$0x3FDB];
	s0 =	simm.s32 @p2 $0x1  }
0x17: {  	s4 =	simm.s32 $0x1BF5;
	[smem:$0x3FA3] =	sst s0  }
0x18: {  	s0 =	sld [smem:$0x3F86];
	_ =	swait.ge [sflag:s4], $0x0  }
0x19: {  	s7 =	sld [smem:$0x3F87]  }
0x1a: {  	s8 =	sadd.s32 $0xFFFFE003, lr  }
0x1b: {  	s9 =	sadd.s32 $0xFFFFFEF7, lr;
	s5 =	simm.s32 $0xFFFFFFFF;
	p2 =	slt.u32 s8, $0xFFFFF086  }
0x1c: {  	p1 =	slt.u32 s9, $0xF7A;
	s5 =	simm.s32 @!p2 $0x0  }
0x1d: {  	s5 =	simm.s32 @p1 $0x1;
	p0 =	seq.s32 s7, s2  }
0x1e: {  	s7 =	smul.u32 @!p0 $0xF7A, s2;
	p2 =	seq.s32 @!p0 s5, $0x0  }
0x1f: {  	s9 =	smul.u32 $0xF7A, s1;
	s8 =	simm.s32 @!p0 $0x1BF5;
	p2 =	por !p2, p0  }
0x20: {  	[sflag:s8] =	ssyncset.s32 @!p0 $0xFFFFF086;
	s6 =	sadd.s32 @!p0 s3, s7;
	s7 =	simm.s32 @!p0 $0x108  }
0x21: {  	s3 =	sadd.s32 s3, s9;
	s6 =	sadd.s32 @!p0 $0x88, s6;
	s7 =	simm.s32 @p2 $0x1082  }
0x22: {  	[simem:s7], [sflag:s8] =	dma.local @!p0 [hbm:s6], $0xF7A  }
0x23: {  	s9 =	sor.u32 $0xD0000000, s2;
	s6 =	simm.s32 $0x108;
	_ =	swait.ge @!p0 [sflag:s8], $0x0  }
0x24: {  	s3 =	sadd.s32 $0x88, s3;
	s6 =	simm.s32 @!p1 $0x1082;
	[sflag:s4] =	ssyncset.s32 $0xFFFFF086  }
0x25: {  	[simem:s6], [sflag:s4] =	dma.local [hbm:s3], $0xF7A  }
0x26: {  	[smem:$0x3F87] =	sst s1;
	(tag) =	ssettag s2;
	_ =	strace s9  }
0x27: {  	s1 =	sld [smem:$0x3F97]  }
0x28: {  	s2 =	sld [smem:$0x3F98]  }
0x29: {  	s4 =	sld [smem:$0x3F9A]  }
0x2a: {  	p0 =	seq.s32 s5, $0x0;
	s5 =	sld [smem:$0x3F9B]  }
0x2b: {  	s6 =	sld [smem:$0x3F9C]  }
0x2c: {  	s7 =	sld [smem:$0x3F9D]  }
0x2d: {  	s3 =	simm.s32 $0x108;
	s8 =	sld [smem:$0x3F9E]  }
0x2e: {  	s3 =	simm.s32 @!p0 $0x1082;
	s9 =	sld [smem:$0x3F9F]  }
0x2f: {  	lr =	sadd.s32 s0, s3;
	s0 =	sld [smem:$0x3F96]  }
0x30: {  	s3 =	sld [smem:$0x3F99]  }
0x31: {  	[smem:$0x3FA2] =	sst s10  }
0x32: {  	s10 =	sld [smem:$0x3FA0];
	_ =	sdelay $0x3  }
0x33: {  	p0 =	seq.s32 s10, $0x1;
	s10 =	sld [smem:$0x3FA2];
	_ =	sdelay $0x3  }
0x34: {  	[smem:$0x3FA2] =	sst s10  }
0x35: {  	s10 =	sld [smem:$0x3FA1];
	_ =	sdelay $0x3  }
0x36: {  	p1 =	seq.s32 s10, $0x1;
	s10 =	sld [smem:$0x3FA2];
	_ =	sdelay $0x3  }
0x37: {  	[smem:$0x3FA2] =	sst s10  }
0x38: {  	s10 =	sld [smem:$0x3FA3]  }
0x39: {  	_ = 	snop;
	(pc) =	sbr.ind lr, $3  }
0x3a: {  	_ = 	snop  }
0x3b: {  	_ = 	snop  }
0x3c: {  	p2 =	seq.s32 s10, $0x1;
	s10 =	sld [smem:$0x3FA2]  }
0x3d: {  	_ =	shalt  }
0x3e: {  	_ =	shalt  }
0x3f: {  	_ =	shalt  }
0x40: {  	_ =	shalt  }
0x41: {  	_ =	shalt  }
0x42: {  	_ =	shalt  }
0x43: {  	_ =	shalt  }
0x44: {  	_ =	shalt  }
0x45: {  	_ =	shalt  }
0x46: {  	_ =	shalt  }
0x47: {  	_ =	shalt  }
0x48: {  	_ =	shalt  }
0x49: {  	_ =	shalt  }
0x4a: {  	_ =	shalt  }
0x4b: {  	_ =	shalt  }
0x4c: {  	_ =	shalt  }
0x4d: {  	_ =	shalt  }
0x4e: {  	_ =	shalt  }
0x4f: {  	_ =	shalt  }
0x50: {  	_ =	shalt  }
0x51: {  	_ =	shalt  }
0x52: {  	_ =	shalt  }
0x53: {  	_ =	shalt  }
0x54: {  	_ =	shalt  }
0x55: {  	_ =	shalt  }
0x56: {  	_ =	shalt  }
0x57: {  	_ =	shalt  }
0x58: {  	_ =	shalt  }
0x59: {  	_ =	shalt  }
0x5a: {  	_ =	shalt  }
0x5b: {  	_ =	shalt  }
0x5c: {  	_ =	shalt  }
0x5d: {  	_ =	shalt  }
0x5e: {  	_ =	shalt  }
0x5f: {  	_ =	shalt  }
0x60: {  	_ =	shalt  }
0x61: {  	_ =	shalt  }
0x62: {  	_ =	shalt  }
0x63: {  	_ =	shalt  }
0x64: {  	_ =	shalt  }
0x65: {  	_ =	shalt  }
0x66: {  	_ =	shalt  }
0x67: {  	_ =	shalt  }
0x68: {  	_ =	shalt  }
0x69: {  	_ =	shalt  }
0x6a: {  	_ =	shalt  }
0x6b: {  	_ =	shalt  }
0x6c: {  	_ =	shalt  }
0x6d: {  	_ =	shalt  }
0x6e: {  	_ =	shalt  }
0x6f: {  	_ =	shalt  }
0x70: {  	_ =	shalt  }
0x71: {  	_ =	shalt  }
0x72: {  	_ =	shalt  }
0x73: {  	_ =	shalt  }
0x74: {  	_ =	shalt  }
0x75: {  	_ =	shalt  }
0x76: {  	_ =	shalt  }
0x77: {  	_ =	shalt  }
0x78: {  	_ =	shalt  }
0x79: {  	_ =	shalt  }
0x7a: {  	_ =	shalt  }
0x7b: {  	_ =	shalt  }
0x7c: {  	_ =	shalt  }
0x7d: {  	_ =	shalt  }
0x7e: {  	_ =	shalt  }
0x7f: {  	_ =	shalt  }
0x80: {  	_ =	shalt  }
0x81: {  	_ =	shalt  }
0x82: {  	_ =	shalt  }
0x83: {  	_ =	shalt  }
0x84: {  	_ =	shalt  }
0x85: {  	_ =	shalt  }
0x86: {  	_ =	shalt  }
0x87: {  	_ =	shalt  }
.Lfunc_end0:
.L_simem_size_0:
called_computation.3_lowered:
.L_overlay_start_0:
0x88: {  	s2 =	sld [smem:$0x3FD9]  }
0x89: {  	s3 =	sld [smem:$0x3FFE];
	_ =	sdelay $0x1  }
0x8a: {  	s1 =	srdreg.scid  }
0x8b: {  	s0 =	sand.u32 $0x1, s1  }
0x8c: {  	s16 =	sshll.u32 s0, $0xA;
	s2 =	sadd.s32 s3, s2  }
0x8d: {  	s2 =	sadd.s32 s2, s16  }
0x8e: {  	[smem:$0x3FAE] =	sst s2  }
0x8f: {  	_ = 	snop  }
0x90: {  	(tm) =	ssettm $0x1  }
0x91: {  	s17 =	sld [smem:$0x3FFB];
	_ =	sdelay $0x3  }
0x92: {  	_ =	strace s17  }
0x93: {  	s2 =	sld [smem:$0x3FFC];
	_ =	sdelay $0x3  }
0x94: {  	_ =	strace s2  }
0x95: {  	s2 =	sld [smem:$0x3FFD];
	_ =	sdelay $0x3  }
0x96: {  	_ =	strace s2  }
0x97: {  	_ =	strace $0x8FFFFFFF  }
0x98: {  	s18 =	sld [smem:$0x3FDB];
	_ =	sdelay $0x1  }
0x99: {  	s19 =	simm.s32 $_scs_section_size  }
0x9a: {  	s4 =	simm.s32 $_size__tile_overlayer_lowered;
	s5 =	simm.s32 $_tile_overlayer_lowered  }
0x9b: {  	s22 =	simm.s32 $0x1BFF;
	s21 =	sshll.u32 s5, $0x1;
	s2 =	sadd.s32 s19, s18  }
0x9c: {  	s6 =	simm.s32 $0x0;
	s20 =	sshll.u32 s4, $0x1;
	s4 =	sadd.s32 s21, s2  }
0x9d: {  	[timem:s6], [sflag:s22] =	dma.local [hbm:s4], s20  }
0x9e: {  	_ =	swait.ge [sflag:s22], s20  }
0x9f: {  	s3 =	ssub.s32 $0x0, s20;
	[sflag:s22] =	ssyncset.done $0x0  }
0xa0: {  	[sflag:s22] =	ssyncadd.s32 s3;
	_ =	sdelay $0x1  }
0xa1: {  	s23 =	simm.s32 $0x1B8B  }
0xa2: {  	_ =	swait.ge [sflag:s23], $0x1  }
0xa3: {  	[sflag:s23] =	ssyncset.done $0x0  }
0xa4: {  	s25 =	simm.s32 $0x1B8E;
	s24 =	sld [smem:$0x3FFE];
	[sflag:s23] =	ssyncadd.s32 $0xFFFFFFFF  }
0xa5: {  	s26 =	simm.s32 $execute0_lowered;
	[smem:$0x3FD2] =	sst s25  }
0xa6: {  	s4 =	sshll.u32 s26, $0x1;
	_ =	strace $0x8000004F;
	[dreg:$0x1] =	wrdreg $0xFFFFFFFF  }
0xa7: {  	s28 =	simm.s32 $_size_execute0_lowered;
	s2 =	sadd.s32 s2, s4;
	[dreg:$0x0] =	wrdreg $0x0  }
0xa8: {  	s4 =	sshll.u32 s28, $0x1;
	[dreg:$0x2] =	wrdreg s2  }
0xa9: {  	[dreg:$0x3] =	wrdreg s4  }
0xaa: {  	[dreg:$0x4] =	wrdreg $0xC0  }
0xab: {  	_ =	task [dreg:s6], $0x5FFFF  }
0xac: {  	[dreg:$0x1] =	wrdreg $0xFFFFFFFF  }
0xad: {  	[dreg:$0x0] =	wrdreg $0x60  }
0xae: {  	[dreg:$0x2] =	wrdreg s24  }
0xaf: {  	[dreg:$0x3] =	wrdreg $0x90000  }
0xb0: {  	[dreg:$0x4] =	wrdreg $0x9  }
0xb1: {  	_ =	task.clear_ibuf [dreg:s6], $0x5FFFF;
	_ =	strace $0x9000004F  }
0xb2: {  	s29 =	simm.s32 $0x9;
	_ =	strace $0x80000051  }
0xb3: {  	_ =	swait.ge [sflag:s29], $0x1  }
0xb4: {  	[sflag:s29] =	ssyncadd.s32 $0xFFFFFFFF  }
0xb5: {  	_ =	strace $0x90000051  }
0xb6: {  	_ =	sfence  }
0xb7: {  	s30 =	sld [smem:$0x0];
	_ =	sdelay $0x2  }
0xb8: {  	s31 =	sshll.u32 s1, $0xD;
	s1 =	sshrl.u32 s1, $0x2  }
0xb9: {  	s3 =	sand.u32 $0x4000, s31;
	s1 =	sadd.s32 s1, s30  }
0xba: {  	s0 =	sor.u32 s3, s0;
	s1 =	sshll.u32 s1, $0x11  }
0xbb: {  	s0 =	sor.u32 s1, s0  }
0xbc: {  	s0 =	sadd.s32 $0x8F2B, s0  }
0xbd: {  	[sflag:s0] =	ssyncadd.remote.s32 $0x1  }
0xbe: {  	_ =	sfence.sel $0xFFFF  }
0xbf: {  	[dreg:$0x0] =	wrdreg $0xFFFFFFFF;
	(pc) =	sbr.abs _section_cstart, $3  }
0xc0: {  	[dreg:$0x1] =	wrdreg $0xFFFFFFFF  }
0xc1: {  	_ =	task.clear_ibuf [dreg:s6], $0x2FFFF;
	_ =	strace $0x9FFFFFFF  }
0xc2: {  	(tm) =	ssettm $0x7FFFFFFF  }
0xc3: {  	_ =	shalt  }
tec
execute0_lowered:
.L_overlay_start_1:
0x0: {  	(tag) =	ssettag $0x1  }
0x1: {  	s1 =	srdreg.scid;
	s6 =	rddreg [dreg:$0x0]  }
0x2: {  	s0 =	stileid.u32;
	s2 =	rddreg [dreg:$0x1]  }
0x3: {  	s3 =	simm.s32 $0x0;
	s14 =	simm.s32 $0x80;
	s15 =	simm.s32 $0x5000  }
0x4: {  	s16 =	simm.s32 $0x0;
	s5 =	sand.u32 $0x1, s1;
	s29 =	sshll.u32 s0, $0x1  }
0x5: {  	s8 =	smul.u32 $0x13C00, s0;
	[smem:$0x7FF] =	sst s3;
	s4 =	sadd.s32 $0x19600, s6  }
0x6: {  	s11 =	smul.u32 $0x4F000, s0;
	s12 =	sshll.u32 s0, $0x6;
	s1 =	sor.u32 s5, s29  }
0x7: {  	s9 =	smul.u32 $0x13C000, s5;
	s5 =	ssub.s32 $0x2, s5;
	s12 =	sor.u32 $0x1C01, s12  }
0x8: {  	s7 =	smul.u32 $0x500, s1;
	s1 =	rddreg [dreg:$0x2];
	_ =	strace $0x80000050  }
0x9: {  	s10 =	sshrl.u32 s8, $0x3;
	s30 =	sshrl.u32 s5, $0x1;
	s31 =	sshrl.u32 s11, $0x2  }
0xa: {  	s11 =	simm.s32 $0x2800;
	s8 =	sadd.s32 s8, s9;
	s10 =	sadd.s32 s10, s6  }
0xb: {  	s9 =	ssub.s32 s5, s30;
	s13 =	sadd.s32 s31, s2;
	s7 =	sadd.s32 s7, s6  }
0xc: {  	s8 =	sshrl.u32 s8, $0x3;
	s9 =	smax.u32 s9, $0x1;
	s13 =	sshrl.u32 s13, $0x3  }
0xd: {  	s8 =	sadd.s32 s8, s6;
	s5 =	sadd.s32 $0xF600, s7;
	s6 =	sadd.s32 $0x90600, s7  }
0xe: {  	s7 =	sadd.s32 $0x9A600, s10;
	s10 =	simm.s32 $0x1;
	s8 =	sadd.s32 $0xC1E00, s8  }
.LBB2_1:
0xf: {  	[tilespmem:s3], [sflag:$0x1] =	stream.linear.gather [hbm4b:s5+s3], $0x2800, $0x38;
	[tilespmem:$0x1CC00] =	vst v63  }
0x10: {  	_ =	swait.ge [sflag:s10], $0x2800  }
0x11: {  	[sflag:s10] =	ssyncset.done $0x0  }
0x12: {  	[sflag:s10] =	ssyncadd.s32 $0xFFFFD800  }
0x13: {  	[tilespmem:s11], [sflag:$0x1] =	stream.linear.gather [hbm4b:s6+s3], $0x2800, $0x38;
	[tilespmem:$0x1CC00] =	vst v63  }
0x14: {  	_ =	swait.ge [sflag:s10], $0x2800  }
0x15: {  	[sflag:s10] =	ssyncset.done $0x0  }
0x16: {  	[sflag:s10] =	ssyncadd.s32 $0xFFFFD800  }
0x17: {  	[spmem:s13], [sflag:s12] =	dma.local [hbm:s7], $0x2780  }
0x18: {  	_ =	swait.ge [sflag:s10], $0x2780  }
0x19: {  	[sflag:s10] =	ssyncset.done $0x0  }
0x1a: {  	[sflag:s10] =	ssyncadd.s32 $0xFFFFD880  }
0x1b: {  	s17 =	simm.s32 $0x0;
	[bflag:$0x0] =	sbarrier.arrive $0xFFFF  }
0x1c: {  	[tilespmem:s15], [sflag:$0x1] =	stream.indirect.gather [hbm4b:s4+s14], $0x80, s17, s14, $0xb8;
	[tilespmem:$0x1CC00] =	vst v63  }
0x1d: {  	_ =	swait.ge [sflag:s10], $0x4000  }
0x1e: {  	[sflag:s10] =	ssyncset.done $0x0  }
0x1f: {  	s31 =	simm.s32 $0x2800;
	[sflag:s10] =	ssyncadd.s32 $0xFFFFC000  }
0x20: {  	[spmem:s2] =	stream.indirect.scatter.add.f32 [tilespmem:s15], [sflag:$0x1], $0x80, s31, s14, $0xb8;
	[tilespmem:$0x1CC00] =	vst v63  }
0x21: {  	_ =	swait.ge [sflag:s10], $0x4000  }
0x22: {  	s18 =	simm.s32 $0x400;
	s17 =	simm.s32 $0x200;
	[sflag:s10] =	ssyncset.done $0x0  }
.LBB2_2:
0x23: {  	s19 =	sshra.s32 s17, $0x2  }
0x24: {  	[sflag:s10] =	ssyncadd.s32 $0xFFFFC000;
	s17 =	smov.u32 s18;
	s20 =	sadd.s32 $0x200, s18  }
0x25: {  	[tilespmem:s15], [sflag:$0x1] =	stream.indirect.gather [hbm4b:s4+s14], $0x80, s19, s14, $0xb8;
	[tilespmem:$0x1CC00] =	vst v63  }
0x26: {  	p0 =	sne.s32 s18, $0x9E00;
	_ =	swait.ge [sflag:s10], $0x4000  }
.Ltmp0:
0x27: {  	[sflag:s10] =	ssyncset.done $0x0;
	(pc) =	sbr.rel @p0 .LBB2_2-.Ltmp0, $4  }
0x28: {  	s18 =	sadd.s32 $0x2800, s19;
	[sflag:s10] =	ssyncadd.s32 $0xFFFFC000  }
0x29: {  	[spmem:s2] =	stream.indirect.scatter.add.f32 [tilespmem:s15], [sflag:$0x1], $0x80, s18, s14, $0xb8;
	[tilespmem:$0x1CC00] =	vst v63  }
0x2a: {  	_ =	swait.ge [sflag:s10], $0x4000  }
0x2b: {  	s18 =	smov.u32 s20;
	[sflag:s10] =	ssyncset.done $0x0  }
0x2c: {  	s17 =	sshra.s32 s17, $0x2;
	[sflag:s10] =	ssyncadd.s32 $0xFFFFC000  }
0x2d: {  	[tilespmem:s15], [sflag:$0x1] =	stream.indirect.gather [hbm4b:s4+s14], $0x80, s17, s14, $0xb8;
	[tilespmem:$0x1CC00] =	vst v63  }
0x2e: {  	_ =	swait.ge [sflag:s10], $0x4000  }
0x2f: {  	[sflag:s10] =	ssyncset.done $0x0  }
0x30: {  	s17 =	sadd.s32 $0x2800, s17;
	[sflag:s10] =	ssyncadd.s32 $0xFFFFC000  }
0x31: {  	[spmem:s2] =	stream.indirect.scatter.add.f32 [tilespmem:s15], [sflag:$0x1], $0x80, s17, s14, $0xb8;
	[tilespmem:$0x1CC00] =	vst v63  }
0x32: {  	_ =	swait.ge [sflag:s10], $0x4000  }
0x33: {  	s16 =	sadd.s32 $0x1, s16;
	[sflag:s10] =	ssyncset.done $0x0  }
0x34: {  	p0 =	sne.s32 s16, s9;
	[sflag:s10] =	ssyncadd.s32 $0xFFFFC000  }
.Ltmp1:
0x35: {  	[bflag:$0x0] =	sbarrier.arrive $0xFFFF;
	(pc) =	sbr.rel @p0 .LBB2_1-.Ltmp1, $4  }
0x36: {  	[hbm:s8], [sflag:s12] =	dma.local [spmem:s13], $0x2780  }
0x37: {  	_ =	swait.ge [sflag:s10], $0x2780  }
0x38: {  	[sflag:s10] =	ssyncset.done $0x0  }
0x39: {  	[sflag:s10] =	ssyncadd.s32 $0xFFFFD880  }
0x3a: {  	_ =	sfence.sel $0x180000  }
0x3b: {  	[bflag:$0x0] =	sbarrier.arrive $0xFFFF  }
0x3c: {  	p0 =	sne.s32 s0, $0x0;
	_ =	strace $0x90000050  }
0x3d: {  	s0 =	sadd.s32 @!p0 $0x100000, s1;
	[bflag:$0x2] =	sbarrier.arrive $0xFFFF  }
0x3e: {  	[sflag:s0] =	ssyncadd.tile.s32 @!p0 $0x1;
	_ =	shalt  }
.Lfunc_end2:
_tile_overlayer_lowered:
.L_overlay_start_2:
0x3f: {  	(tag) =	ssettag $0x2  }
0x40: {  	s0 =	rddreg [dreg:$0x0];
	s2 =	stileid.u32  }
0x41: {  	s1 =	rddreg [dreg:$0x1];
	p0 =	sne.s32 s2, $0x0  }
0x42: {  	s3 =	rddreg [dreg:$0x2];
	[bflag:$0x3] =	sbarrier.arrive $0xFFFF;
	s2 =	simm.s32 @!p0 $0x1C01  }
0x43: {  	[timem:s3], [sflag:s2] =	dma.local @!p0 [hbm:s0], s1  }
0x44: {  	s0 =	simm.s32 @!p0 $0x1  }
0x45: {  	_ =	swait.ge @!p0 [sflag:s0], s1  }
0x46: {  	s1 =	ssub.s32 @!p0 $0x0, s1;
	[sflag:s0] =	ssyncset.done @!p0 $0x0  }
0x47: {  	[sflag:s0] =	ssyncadd.s32 @!p0 s1  }
0x48: {  	[bflag:$0x3] =	sbarrier.arrive $0xFFFF  }
0x49: {  	_ =	shalt  }

</sc_bundles>
